<compile_context>
chip_gen: v7x
topology: tpu7x:2x2x1
jax: 0.10.2.dev20260603
libtpu: 0.0.44.dev20260713+nightly
codegen_flags: <defaults>
</compile_context>

<pallas_src>
import functools

import jax
import jax.numpy as jnp
from jax import lax
from jax.experimental import pallas as pl
from jax.experimental.pallas import tpu as pltpu
from jax.experimental.pallas import tpu_sc as plsc

_B, _S, _D = 4, 2048, 1024
_E, _DFF = 16, 2048
_N = _B * _S
_C = _N // _E
_RPAD = _N + _C

_NCORES = 2
_NSUB = 16
_NW = _NCORES * _NSUB
_TPW = _N // _NW
_CH = 64
_NCH = _TPW // _CH


def _ffn_kernel(xin_ref, w1_ref, b1_ref, g1_ref, bt1_ref,
                w2_ref, b2_ref, lng_ref, lnb_ref, yout_ref):
    pid = pl.program_id(0)

    @pl.when(pid < _E)
    def _expert():
        proj = xin_ref[...]
        h = jnp.dot(proj, w1_ref[0], preferred_element_type=jnp.float32)
        h = h + b1_ref[0]
        mu = jnp.mean(h, axis=1, keepdims=True)
        var = jnp.mean((h - mu) ** 2, axis=1, keepdims=True)
        h = (h - mu) / jnp.sqrt(var + 1e-5) * g1_ref[0] + bt1_ref[0]
        h = 0.5 * h * (1.0 + lax.erf(h * 0.7071067811865476))
        out = jnp.dot(h, w2_ref[0], preferred_element_type=jnp.float32)
        out = out + b2_ref[0]
        mu2 = jnp.mean(out, axis=1, keepdims=True)
        var2 = jnp.mean((out - mu2) ** 2, axis=1, keepdims=True)
        yout_ref[...] = ((out - mu2) / jnp.sqrt(var2 + 1e-5) * lng_ref[...]
                         + lnb_ref[...])

    @pl.when(pid == _E)
    def _dummy():
        yout_ref[...] = jnp.broadcast_to(lnb_ref[...], (_C, _D))


def _build_ffn_call(interpret=False):
    return pl.pallas_call(
        _ffn_kernel,
        interpret=interpret,
        grid=(_E + 1,),
        in_specs=[
            pl.BlockSpec((_C, _D), lambda i: (jnp.minimum(i, _E - 1), 0)),
            pl.BlockSpec((1, _D, _DFF), lambda i: (jnp.minimum(i, _E - 1), 0, 0)),
            pl.BlockSpec((1, 1, _DFF), lambda i: (jnp.minimum(i, _E - 1), 0, 0)),
            pl.BlockSpec((1, 1, _DFF), lambda i: (jnp.minimum(i, _E - 1), 0, 0)),
            pl.BlockSpec((1, 1, _DFF), lambda i: (jnp.minimum(i, _E - 1), 0, 0)),
            pl.BlockSpec((1, _DFF, _D), lambda i: (jnp.minimum(i, _E - 1), 0, 0)),
            pl.BlockSpec((1, 1, _D), lambda i: (jnp.minimum(i, _E - 1), 0, 0)),
            pl.BlockSpec((1, _D), lambda i: (0, 0)),
            pl.BlockSpec((1, _D), lambda i: (0, 0)),
        ],
        out_specs=pl.BlockSpec((_C, _D), lambda i: (i, 0)),
        out_shape=jax.ShapeDtypeStruct((_RPAD, _D), jnp.float32),
    )


_ffn_call = _build_ffn_call()


def _ln_kernel(o_ref, lng_ref, lnb_ref, y_ref):
    out = o_ref[...]
    mu = jnp.mean(out, axis=1, keepdims=True)
    var = jnp.mean((out - mu) ** 2, axis=1, keepdims=True)
    y_ref[...] = (out - mu) / jnp.sqrt(var + 1e-5) * lng_ref[...] + lnb_ref[...]


_ln_call = pl.pallas_call(
    _ln_kernel,
    grid=(_E,),
    in_specs=[
        pl.BlockSpec((_C, _D), lambda i: (i, 0)),
        pl.BlockSpec((1, _D), lambda i: (0, 0)),
        pl.BlockSpec((1, _D), lambda i: (0, 0)),
    ],
    out_specs=pl.BlockSpec((_C, _D), lambda i: (i, 0)),
    out_shape=jax.ShapeDtypeStruct((_N, _D), jnp.float32),
)


def _dispatch_kernel(x_hbm, pos_hbm, xin_hbm, idx_v, rows_v, sem):
    wid = lax.axis_index("s") * _NCORES + lax.axis_index("c")
    base = wid * _TPW
    for j in range(_NCH):
        pltpu.sync_copy(pos_hbm.at[pl.ds(base + j * _CH, _CH)], idx_v.at[j])
        pltpu.sync_copy(x_hbm.at[pl.ds(base + j * _CH, _CH)], rows_v)
        pltpu.async_copy(rows_v, xin_hbm.at[idx_v.at[j]], sem).wait()


def _combine_kernel(yout_hbm, pos_hbm, fin_hbm, idx_v, rows_v, sem):
    wid = lax.axis_index("s") * _NCORES + lax.axis_index("c")
    base = wid * _TPW
    for j in range(_NCH):
        pltpu.sync_copy(pos_hbm.at[pl.ds(base + j * _CH, _CH)], idx_v.at[j])
        pltpu.async_copy(yout_hbm.at[idx_v.at[j]], rows_v, sem).wait()
        pltpu.sync_copy(rows_v, fin_hbm.at[pl.ds(base + j * _CH, _CH)])


@functools.lru_cache(maxsize=None)
def _sc_calls():
    mesh = plsc.VectorSubcoreMesh(core_axis_name="c", subcore_axis_name="s",
                                  num_cores=_NCORES, num_subcores=_NSUB)
    scratch = [
        pltpu.VMEM((_NCH, _CH), jnp.int32),
        pltpu.VMEM((_CH, _D), jnp.float32),
        pltpu.SemaphoreType.DMA,
    ]
    dispatch = pl.kernel(
        _dispatch_kernel,
        out_type=jax.ShapeDtypeStruct((_RPAD, _D), jnp.float32),
        mesh=mesh, scratch_types=scratch)
    combine = pl.kernel(
        _combine_kernel,
        out_type=jax.ShapeDtypeStruct((_N, _D), jnp.float32),
        mesh=mesh, scratch_types=scratch)
    return dispatch, combine


def _routing(x, W_in, b_in, W_g):
    proj = x @ W_in + b_in
    x_flat = proj.reshape(_N, _D)
    router_logits = x_flat @ W_g
    routing_weights = jax.nn.softmax(router_logits, axis=-1)
    ew, ei = jax.lax.top_k(routing_weights, 1)
    ew = ew / ew.sum(-1, keepdims=True)
    lane = jnp.arange(_E, dtype=jnp.int32)[:, None]
    scores = jnp.where(ei[:, 0][None, :] == lane, ew[:, 0][None, :], -jnp.inf)
    top_s, top_i = jax.lax.top_k(scores, _C)
    valid = jnp.isfinite(top_s)
    usage = valid.sum(-1).astype(jnp.float32)
    slots = (lane * _C + jnp.arange(_C, dtype=jnp.int32)[None, :])
    upd = jnp.where(valid, slots, -1).reshape(-1)
    pos0 = jnp.full((_N,), -1, jnp.int32).at[top_i.reshape(-1)].max(upd)
    kept = pos0 >= 0
    filled = jnp.zeros((_N,), jnp.int32).at[jnp.maximum(pos0, 0)].max(
        kept.astype(jnp.int32))
    holes = jnp.argsort(filled, stable=True).astype(jnp.int32)
    drop_rank = jnp.cumsum((~kept).astype(jnp.int32)) - 1
    pos_perm = jnp.where(kept, pos0, holes[drop_rank])
    gidx = jnp.argsort(pos_perm).astype(jnp.int32)
    pos2 = jnp.where(kept, pos0, _N + jnp.arange(_N, dtype=jnp.int32) % _C)
    return router_logits, routing_weights, gidx, pos2, usage, x_flat


def kernel(x, W_in, b_in, W_g, W1, b1, g1, bt1, W2, b2, ln_g, ln_b):
    logits, probs, gidx, pos2, usage, x_flat = _routing(x, W_in, b_in, W_g)
    xin = x_flat[gidx]
    _FFN_EINSUM = True
    if _FFN_EINSUM:
        xe = xin.reshape(_E, _C, _D)
        h = jnp.einsum('ecd,edf->ecf', xe, W1) + b1[:, None, :]
        mu = h.mean(-1, keepdims=True)
        var = ((h - mu) ** 2).mean(-1, keepdims=True)
        h = (h - mu) / jnp.sqrt(var + 1e-5) * g1[:, None, :] + bt1[:, None, :]
        h = jax.nn.gelu(h, approximate=False)
        out = jnp.einsum('ecf,efd->ecd', h, W2) + b2[:, None, :]
        ye = _ln_call(out.reshape(_N, _D), ln_g.reshape(1, _D),
                      ln_b.reshape(1, _D))
        yout = jnp.concatenate(
            [ye, jnp.broadcast_to(ln_b, (_C, _D))], axis=0)
    else:
        yout = _ffn_call(xin, W1,
                         b1.reshape(_E, 1, _DFF), g1.reshape(_E, 1, _DFF),
                         bt1.reshape(_E, 1, _DFF), W2, b2.reshape(_E, 1, _D),
                         ln_g.reshape(1, _D), ln_b.reshape(1, _D))
    _, combine = _sc_calls()
    fin = combine(yout, pos2)
    return fin.reshape(_B, _S, _D), usage, logits, probs

# --- scband reference (transcript-rebuilt; emitter-appended) ---
"""Pipeline reference for scband-switch-transformer-tabular-32186484917042 (READ-ONLY COPY).

The authoritative reference and input builder live on the scoring server;
editing this copy changes nothing except your own understanding.
"""

import jax, jax.numpy as jnp
import numpy as np

B, S, D = 4, 2048, 1024
E, K, DFF = 16, 1, 2048


def _ln(h, g, b, eps=1e-5):
    m = h.mean(-1, keepdims=True)
    v = ((h - m) ** 2).mean(-1, keepdims=True)
    return (h - m) / jnp.sqrt(v + eps) * g + b


def setup_inputs(seed: int = 0) -> dict:
    key = jax.random.key(seed)
    ks = jax.random.split(key, 6)
    s = 0.02
    return {
        "x": jax.random.normal(ks[0], (B, S, D), dtype=jnp.float32),
        "W_in": jax.random.normal(ks[1], (D, D), dtype=jnp.float32) * s,
        "b_in": jnp.zeros((D,), jnp.float32),
        "W_g": jax.random.normal(ks[2], (D, E), dtype=jnp.float32) * s,
        "W1": jax.random.normal(ks[3], (E, D, DFF), dtype=jnp.float32) * s,
        "b1": jnp.zeros((E, DFF), jnp.float32),
        "g1": jnp.ones((E, DFF), jnp.float32),
        "bt1": jnp.zeros((E, DFF), jnp.float32),
        "W2": jax.random.normal(ks[4], (E, DFF, D), dtype=jnp.float32) * s,
        "b2": jnp.zeros((E, D), jnp.float32),
        "ln_g": jnp.ones((D,), jnp.float32),
        "ln_b": jnp.zeros((D,), jnp.float32),
    }


def reference(x, W_in, b_in, W_g, W1, b1, g1, bt1, W2, b2, ln_g, ln_b):
    Bs, Ss, Ds = x.shape
    N = Bs * Ss
    proj = x @ W_in + b_in  # input_projection
    x_flat = proj.reshape(N, Ds)
    router_logits = x_flat @ W_g  # gate (no bias)
    routing_weights = jax.nn.softmax(router_logits, axis=-1)
    expert_weights, expert_indices = jax.lax.top_k(routing_weights, K)
    expert_weights = expert_weights / expert_weights.sum(-1, keepdims=True)
    expert_capacity = max(int(1.0 * N / E), 1)
    outputs = jnp.zeros((N, Ds), x.dtype)
    expert_usage = jnp.zeros((E,), jnp.float32)
    for e in range(E):
        mask = expert_indices == e  # [N, K]
        # per-token routing weight for this expert, -inf if not routed here
        score = jnp.where(mask, expert_weights, -jnp.inf).max(axis=1)  # [N]
        # capacity selection: keep top `expert_capacity` tokens by routing score
        top_s, top_i = jax.lax.top_k(score, expert_capacity)
        valid = jnp.isfinite(top_s)
        w = jnp.where(valid, top_s, 0.0)
        inp = x_flat[top_i]  # gather selected tokens
        h = inp @ W1[e] + b1[e]
        h = _ln(h, g1[e], bt1[e])
        h = jax.nn.gelu(h, approximate=False)
        out = h @ W2[e] + b2[e]
        # top_k=1 => each token assigned to exactly one expert, so scatter-add == overwrite;
        # invalid (padded) slots carry weight 0 so they contribute nothing.
        outputs = outputs.at[top_i].add(out * w[:, None])
        expert_usage = expert_usage.at[e].set(valid.sum().astype(jnp.float32))
    final = _ln(outputs.reshape(Bs, Ss, Ds), ln_g, ln_b)
    return final, expert_usage, router_logits, routing_weights

if __name__ == "__main__":
    import jax
    _d = setup_inputs()
    print(jax.jit(kernel)(*tuple(_d.values())))

</pallas_src>

<mosaic_0001>
#map = affine_map<(d0, d1) -> (0, 0)>
#map1 = affine_map<(d0, d1) -> (0)>
module attributes {stable_mosaic.version = 14 : i64} {
  func.func @_combine_kernel(%arg0: i32, %arg1: i32, %arg2: memref<8704x1024xf32, #tpu.memory_space<hbm>>, %arg3: memref<8192xi32, #tpu.memory_space<hbm>>, %arg4: memref<8192x1024xf32, #tpu.memory_space<hbm>>, %arg5: memref<4x64xi32, #tpu.memory_space<vmem>>, %arg6: memref<64x1024xf32, #tpu.memory_space<vmem>>, %arg7: memref<!tpu.dma_semaphore, #tpu.memory_space<semaphore_mem>>) attributes {dimension_semantics = [#tpu.dimension_semantics<core_parallel>, #tpu.dimension_semantics<subcore_parallel>], iteration_bounds = array<i64: 2, 16>, scalar_prefetch = 0 : i64, scratch_operands = 3 : i64, tpu.core_type = #tpu.core_type<sc_vector_subcore>, window_params = [{transform_indices = #map}, {transform_indices = #map1}, {transform_indices = #map}]} {
    %mul3A = arith.constant 2 : i32
    %mul3A_0 = arith.muli %arg1, %mul3A : i32
    %add3A = arith.addi %mul3A_0, %arg0 : i32
    %mul3A_1 = arith.constant 256 : i32
    %mul3A_2 = arith.muli %add3A, %mul3A_1 : i32
    %add3A_3 = arith.constant 0 : i32
    %add3A_4 = arith.addi %mul3A_2, %add3A_3 : i32
    %run_scoped3A = arith.constant 0 : i32
    "tpu.region"() ({
      %run_scoped3A_76 = tpu.sem_alloc : memref<!tpu.dma_semaphore, #tpu.memory_space<semaphore_mem>>
      %dma_start3A_77 = arith.constant 0 : i32
      %dma_start3A_78 = tpu.memref_slice %arg5[%run_scoped3A, %dma_start3A_77] : memref<4x64xi32, #tpu.memory_space<vmem>> -> memref<1x64xi32, #tpu.memory_space<vmem>>
      %dma_start3A_79 = tpu.memref_squeeze %dma_start3A_78 : memref<1x64xi32, #tpu.memory_space<vmem>> -> memref<64xi32, #tpu.memory_space<vmem>>
      %dma_start3A_80 = tpu.memref_slice %arg3[%add3A_4] : memref<8192xi32, #tpu.memory_space<hbm>> -> memref<64xi32, #tpu.memory_space<hbm>>
      %dma_start3A_81 = arith.constant 0 : i32
      %dma_start3A_82 = tpu.memref_slice %arg5[%run_scoped3A, %dma_start3A_81] : memref<4x64xi32, #tpu.memory_space<vmem>> -> memref<1x64xi32, #tpu.memory_space<vmem>>
      %dma_start3A_83 = tpu.memref_squeeze %dma_start3A_82 : memref<1x64xi32, #tpu.memory_space<vmem>> -> memref<64xi32, #tpu.memory_space<vmem>>
      %dma_start3A_84 = tpu.memref_slice %arg3[%add3A_4] : memref<8192xi32, #tpu.memory_space<hbm>> -> memref<64xi32, #tpu.memory_space<hbm>>
      tpu.enqueue_dma source(%dma_start3A_84 : memref<64xi32, #tpu.memory_space<hbm>>) target(%dma_start3A_83 : memref<64xi32, #tpu.memory_space<vmem>>) target_semaphore(%run_scoped3A_76 : memref<!tpu.dma_semaphore, #tpu.memory_space<semaphore_mem>>)
      %dma_wait3A_85 = arith.constant 0 : i32
      %dma_wait3A_86 = tpu.memref_slice %arg5[%run_scoped3A, %dma_wait3A_85] : memref<4x64xi32, #tpu.memory_space<vmem>> -> memref<1x64xi32, #tpu.memory_space<vmem>>
      %dma_wait3A_87 = tpu.memref_squeeze %dma_wait3A_86 : memref<1x64xi32, #tpu.memory_space<vmem>> -> memref<64xi32, #tpu.memory_space<vmem>>
      %dma_wait3A_88 = tpu.memref_slice %arg3[%add3A_4] : memref<8192xi32, #tpu.memory_space<hbm>> -> memref<64xi32, #tpu.memory_space<hbm>>
      %dma_wait3A_89 = arith.constant 0 : i32
      %dma_wait3A_90 = tpu.memref_slice %arg5[%run_scoped3A, %dma_wait3A_89] : memref<4x64xi32, #tpu.memory_space<vmem>> -> memref<1x64xi32, #tpu.memory_space<vmem>>
      %dma_wait3A_91 = tpu.memref_squeeze %dma_wait3A_90 : memref<1x64xi32, #tpu.memory_space<vmem>> -> memref<64xi32, #tpu.memory_space<vmem>>
      %dma_wait3A_92 = tpu.memref_slice %arg3[%add3A_4] : memref<8192xi32, #tpu.memory_space<hbm>> -> memref<64xi32, #tpu.memory_space<hbm>>
      tpu.wait_dma2 semaphore(%run_scoped3A_76 : memref<!tpu.dma_semaphore, #tpu.memory_space<semaphore_mem>>) src(%dma_wait3A_92 : memref<64xi32, #tpu.memory_space<hbm>>) dst(%dma_wait3A_91 : memref<64xi32, #tpu.memory_space<vmem>>)
      tpu.yield
    }) : () -> ()
    %dma_start3A = arith.constant 0 : i32
    %dma_start3A_5 = arith.constant 0 : i32
    %dma_start3A_6 = tpu.memref_slice %arg5[%dma_start3A, %dma_start3A_5] : memref<4x64xi32, #tpu.memory_space<vmem>> -> memref<1x64xi32, #tpu.memory_space<vmem>>
    %dma_start3A_7 = tpu.memref_squeeze %dma_start3A_6 : memref<1x64xi32, #tpu.memory_space<vmem>> -> memref<64xi32, #tpu.memory_space<vmem>>
    %dma_start3A_8 = arith.constant 0 : i32
    %dma_start3A_9 = arith.constant 0 : i32
    %dma_start3A_10 = tpu.memref_slice %arg2[%dma_start3A_8, %dma_start3A_9] : memref<8704x1024xf32, #tpu.memory_space<hbm>> -> memref<8704x1024xf32, #tpu.memory_space<hbm>>
    tpu.enqueue_indirect_dma source(%dma_start3A_10 : memref<8704x1024xf32, #tpu.memory_space<hbm>>) target(%arg6 : memref<64x1024xf32, #tpu.memory_space<vmem>>) offsets(%dma_start3A_7 : memref<64xi32, #tpu.memory_space<vmem>>) semaphore(%arg7 : memref<!tpu.dma_semaphore, #tpu.memory_space<semaphore_mem>>)
    %dma_wait3A = arith.constant 0 : i32
    %dma_wait3A_11 = arith.constant 0 : i32
    %dma_wait3A_12 = tpu.memref_slice %arg5[%dma_wait3A, %dma_wait3A_11] : memref<4x64xi32, #tpu.memory_space<vmem>> -> memref<1x64xi32, #tpu.memory_space<vmem>>
    %dma_wait3A_13 = tpu.memref_squeeze %dma_wait3A_12 : memref<1x64xi32, #tpu.memory_space<vmem>> -> memref<64xi32, #tpu.memory_space<vmem>>
    %dma_wait3A_14 = arith.constant 0 : i32
    %dma_wait3A_15 = arith.constant 0 : i32
    %dma_wait3A_16 = tpu.memref_slice %arg2[%dma_wait3A_14, %dma_wait3A_15] : memref<8704x1024xf32, #tpu.memory_space<hbm>> -> memref<8704x1024xf32, #tpu.memory_space<hbm>>
    tpu.wait_indirect_dma semaphore(%arg7 : memref<!tpu.dma_semaphore, #tpu.memory_space<semaphore_mem>>) src(%dma_wait3A_16 : memref<8704x1024xf32, #tpu.memory_space<hbm>>) dst(%arg6 : memref<64x1024xf32, #tpu.memory_space<vmem>>)
    %add3A_17 = arith.constant 0 : i32
    %add3A_18 = arith.addi %mul3A_2, %add3A_17 : i32
    "tpu.region"() ({
      %run_scoped3A_76 = tpu.sem_alloc : memref<!tpu.dma_semaphore, #tpu.memory_space<semaphore_mem>>
      %dma_start3A_77 = arith.constant 0 : i32
      %dma_start3A_78 = tpu.memref_slice %arg4[%add3A_18, %dma_start3A_77] : memref<8192x1024xf32, #tpu.memory_space<hbm>> -> memref<64x1024xf32, #tpu.memory_space<hbm>>
      %dma_start3A_79 = arith.constant 0 : i32
      %dma_start3A_80 = tpu.memref_slice %arg4[%add3A_18, %dma_start3A_79] : memref<8192x1024xf32, #tpu.memory_space<hbm>> -> memref<64x1024xf32, #tpu.memory_space<hbm>>
      tpu.enqueue_dma source(%arg6 : memref<64x1024xf32, #tpu.memory_space<vmem>>) target(%dma_start3A_80 : memref<64x1024xf32, #tpu.memory_space<hbm>>) target_semaphore(%run_scoped3A_76 : memref<!tpu.dma_semaphore, #tpu.memory_space<semaphore_mem>>)
      %dma_wait3A_81 = arith.constant 0 : i32
      %dma_wait3A_82 = tpu.memref_slice %arg4[%add3A_18, %dma_wait3A_81] : memref<8192x1024xf32, #tpu.memory_space<hbm>> -> memref<64x1024xf32, #tpu.memory_space<hbm>>
      %dma_wait3A_83 = arith.constant 0 : i32
      %dma_wait3A_84 = tpu.memref_slice %arg4[%add3A_18, %dma_wait3A_83] : memref<8192x1024xf32, #tpu.memory_space<hbm>> -> memref<64x1024xf32, #tpu.memory_space<hbm>>
      tpu.wait_dma2 semaphore(%run_scoped3A_76 : memref<!tpu.dma_semaphore, #tpu.memory_space<semaphore_mem>>) src(%arg6 : memref<64x1024xf32, #tpu.memory_space<vmem>>) dst(%dma_wait3A_84 : memref<64x1024xf32, #tpu.memory_space<hbm>>)
      tpu.yield
    }) : () -> ()
    %add3A_19 = arith.constant 64 : i32
    %add3A_20 = arith.addi %mul3A_2, %add3A_19 : i32
    %run_scoped3A_21 = arith.constant 1 : i32
    "tpu.region"() ({
      %run_scoped3A_76 = tpu.sem_alloc : memref<!tpu.dma_semaphore, #tpu.memory_space<semaphore_mem>>
      %dma_start3A_77 = arith.constant 0 : i32
      %dma_start3A_78 = tpu.memref_slice %arg5[%run_scoped3A_21, %dma_start3A_77] : memref<4x64xi32, #tpu.memory_space<vmem>> -> memref<1x64xi32, #tpu.memory_space<vmem>>
      %dma_start3A_79 = tpu.memref_squeeze %dma_start3A_78 : memref<1x64xi32, #tpu.memory_space<vmem>> -> memref<64xi32, #tpu.memory_space<vmem>>
      %dma_start3A_80 = tpu.memref_slice %arg3[%add3A_20] : memref<8192xi32, #tpu.memory_space<hbm>> -> memref<64xi32, #tpu.memory_space<hbm>>
      %dma_start3A_81 = arith.constant 0 : i32
      %dma_start3A_82 = tpu.memref_slice %arg5[%run_scoped3A_21, %dma_start3A_81] : memref<4x64xi32, #tpu.memory_space<vmem>> -> memref<1x64xi32, #tpu.memory_space<vmem>>
      %dma_start3A_83 = tpu.memref_squeeze %dma_start3A_82 : memref<1x64xi32, #tpu.memory_space<vmem>> -> memref<64xi32, #tpu.memory_space<vmem>>
      %dma_start3A_84 = tpu.memref_slice %arg3[%add3A_20] : memref<8192xi32, #tpu.memory_space<hbm>> -> memref<64xi32, #tpu.memory_space<hbm>>
      tpu.enqueue_dma source(%dma_start3A_84 : memref<64xi32, #tpu.memory_space<hbm>>) target(%dma_start3A_83 : memref<64xi32, #tpu.memory_space<vmem>>) target_semaphore(%run_scoped3A_76 : memref<!tpu.dma_semaphore, #tpu.memory_space<semaphore_mem>>)
      %dma_wait3A_85 = arith.constant 0 : i32
      %dma_wait3A_86 = tpu.memref_slice %arg5[%run_scoped3A_21, %dma_wait3A_85] : memref<4x64xi32, #tpu.memory_space<vmem>> -> memref<1x64xi32, #tpu.memory_space<vmem>>
      %dma_wait3A_87 = tpu.memref_squeeze %dma_wait3A_86 : memref<1x64xi32, #tpu.memory_space<vmem>> -> memref<64xi32, #tpu.memory_space<vmem>>
      %dma_wait3A_88 = tpu.memref_slice %arg3[%add3A_20] : memref<8192xi32, #tpu.memory_space<hbm>> -> memref<64xi32, #tpu.memory_space<hbm>>
      %dma_wait3A_89 = arith.constant 0 : i32
      %dma_wait3A_90 = tpu.memref_slice %arg5[%run_scoped3A_21, %dma_wait3A_89] : memref<4x64xi32, #tpu.memory_space<vmem>> -> memref<1x64xi32, #tpu.memory_space<vmem>>
      %dma_wait3A_91 = tpu.memref_squeeze %dma_wait3A_90 : memref<1x64xi32, #tpu.memory_space<vmem>> -> memref<64xi32, #tpu.memory_space<vmem>>
      %dma_wait3A_92 = tpu.memref_slice %arg3[%add3A_20] : memref<8192xi32, #tpu.memory_space<hbm>> -> memref<64xi32, #tpu.memory_space<hbm>>
      tpu.wait_dma2 semaphore(%run_scoped3A_76 : memref<!tpu.dma_semaphore, #tpu.memory_space<semaphore_mem>>) src(%dma_wait3A_92 : memref<64xi32, #tpu.memory_space<hbm>>) dst(%dma_wait3A_91 : memref<64xi32, #tpu.memory_space<vmem>>)
      tpu.yield
    }) : () -> ()
    %dma_start3A_22 = arith.constant 1 : i32
    %dma_start3A_23 = arith.constant 0 : i32
    %dma_start3A_24 = tpu.memref_slice %arg5[%dma_start3A_22, %dma_start3A_23] : memref<4x64xi32, #tpu.memory_space<vmem>> -> memref<1x64xi32, #tpu.memory_space<vmem>>
    %dma_start3A_25 = tpu.memref_squeeze %dma_start3A_24 : memref<1x64xi32, #tpu.memory_space<vmem>> -> memref<64xi32, #tpu.memory_space<vmem>>
    %dma_start3A_26 = arith.constant 0 : i32
    %dma_start3A_27 = arith.constant 0 : i32
    %dma_start3A_28 = tpu.memref_slice %arg2[%dma_start3A_26, %dma_start3A_27] : memref<8704x1024xf32, #tpu.memory_space<hbm>> -> memref<8704x1024xf32, #tpu.memory_space<hbm>>
    tpu.enqueue_indirect_dma source(%dma_start3A_28 : memref<8704x1024xf32, #tpu.memory_space<hbm>>) target(%arg6 : memref<64x1024xf32, #tpu.memory_space<vmem>>) offsets(%dma_start3A_25 : memref<64xi32, #tpu.memory_space<vmem>>) semaphore(%arg7 : memref<!tpu.dma_semaphore, #tpu.memory_space<semaphore_mem>>)
    %dma_wait3A_29 = arith.constant 1 : i32
    %dma_wait3A_30 = arith.constant 0 : i32
    %dma_wait3A_31 = tpu.memref_slice %arg5[%dma_wait3A_29, %dma_wait3A_30] : memref<4x64xi32, #tpu.memory_space<vmem>> -> memref<1x64xi32, #tpu.memory_space<vmem>>
    %dma_wait3A_32 = tpu.memref_squeeze %dma_wait3A_31 : memref<1x64xi32, #tpu.memory_space<vmem>> -> memref<64xi32, #tpu.memory_space<vmem>>
    %dma_wait3A_33 = arith.constant 0 : i32
    %dma_wait3A_34 = arith.constant 0 : i32
    %dma_wait3A_35 = tpu.memref_slice %arg2[%dma_wait3A_33, %dma_wait3A_34] : memref<8704x1024xf32, #tpu.memory_space<hbm>> -> memref<8704x1024xf32, #tpu.memory_space<hbm>>
    tpu.wait_indirect_dma semaphore(%arg7 : memref<!tpu.dma_semaphore, #tpu.memory_space<semaphore_mem>>) src(%dma_wait3A_35 : memref<8704x1024xf32, #tpu.memory_space<hbm>>) dst(%arg6 : memref<64x1024xf32, #tpu.memory_space<vmem>>)
    %add3A_36 = arith.constant 64 : i32
    %add3A_37 = arith.addi %mul3A_2, %add3A_36 : i32
    "tpu.region"() ({
      %run_scoped3A_76 = tpu.sem_alloc : memref<!tpu.dma_semaphore, #tpu.memory_space<semaphore_mem>>
      %dma_start3A_77 = arith.constant 0 : i32
      %dma_start3A_78 = tpu.memref_slice %arg4[%add3A_37, %dma_start3A_77] : memref<8192x1024xf32, #tpu.memory_space<hbm>> -> memref<64x1024xf32, #tpu.memory_space<hbm>>
      %dma_start3A_79 = arith.constant 0 : i32
      %dma_start3A_80 = tpu.memref_slice %arg4[%add3A_37, %dma_start3A_79] : memref<8192x1024xf32, #tpu.memory_space<hbm>> -> memref<64x1024xf32, #tpu.memory_space<hbm>>
      tpu.enqueue_dma source(%arg6 : memref<64x1024xf32, #tpu.memory_space<vmem>>) target(%dma_start3A_80 : memref<64x1024xf32, #tpu.memory_space<hbm>>) target_semaphore(%run_scoped3A_76 : memref<!tpu.dma_semaphore, #tpu.memory_space<semaphore_mem>>)
      %dma_wait3A_81 = arith.constant 0 : i32
      %dma_wait3A_82 = tpu.memref_slice %arg4[%add3A_37, %dma_wait3A_81] : memref<8192x1024xf32, #tpu.memory_space<hbm>> -> memref<64x1024xf32, #tpu.memory_space<hbm>>
      %dma_wait3A_83 = arith.constant 0 : i32
      %dma_wait3A_84 = tpu.memref_slice %arg4[%add3A_37, %dma_wait3A_83] : memref<8192x1024xf32, #tpu.memory_space<hbm>> -> memref<64x1024xf32, #tpu.memory_space<hbm>>
      tpu.wait_dma2 semaphore(%run_scoped3A_76 : memref<!tpu.dma_semaphore, #tpu.memory_space<semaphore_mem>>) src(%arg6 : memref<64x1024xf32, #tpu.memory_space<vmem>>) dst(%dma_wait3A_84 : memref<64x1024xf32, #tpu.memory_space<hbm>>)
      tpu.yield
    }) : () -> ()
    %add3A_38 = arith.constant 128 : i32
    %add3A_39 = arith.addi %mul3A_2, %add3A_38 : i32
    %run_scoped3A_40 = arith.constant 2 : i32
    "tpu.region"() ({
      %run_scoped3A_76 = tpu.sem_alloc : memref<!tpu.dma_semaphore, #tpu.memory_space<semaphore_mem>>
      %dma_start3A_77 = arith.constant 0 : i32
      %dma_start3A_78 = tpu.memref_slice %arg5[%run_scoped3A_40, %dma_start3A_77] : memref<4x64xi32, #tpu.memory_space<vmem>> -> memref<1x64xi32, #tpu.memory_space<vmem>>
      %dma_start3A_79 = tpu.memref_squeeze %dma_start3A_78 : memref<1x64xi32, #tpu.memory_space<vmem>> -> memref<64xi32, #tpu.memory_space<vmem>>
      %dma_start3A_80 = tpu.memref_slice %arg3[%add3A_39] : memref<8192xi32, #tpu.memory_space<hbm>> -> memref<64xi32, #tpu.memory_space<hbm>>
      %dma_start3A_81 = arith.constant 0 : i32
      %dma_start3A_82 = tpu.memref_slice %arg5[%run_scoped3A_40, %dma_start3A_81] : memref<4x64xi32, #tpu.memory_space<vmem>> -> memref<1x64xi32, #tpu.memory_space<vmem>>
      %dma_start3A_83 = tpu.memref_squeeze %dma_start3A_82 : memref<1x64xi32, #tpu.memory_space<vmem>> -> memref<64xi32, #tpu.memory_space<vmem>>
      %dma_start3A_84 = tpu.memref_slice %arg3[%add3A_39] : memref<8192xi32, #tpu.memory_space<hbm>> -> memref<64xi32, #tpu.memory_space<hbm>>
      tpu.enqueue_dma source(%dma_start3A_84 : memref<64xi32, #tpu.memory_space<hbm>>) target(%dma_start3A_83 : memref<64xi32, #tpu.memory_space<vmem>>) target_semaphore(%run_scoped3A_76 : memref<!tpu.dma_semaphore, #tpu.memory_space<semaphore_mem>>)
      %dma_wait3A_85 = arith.constant 0 : i32
      %dma_wait3A_86 = tpu.memref_slice %arg5[%run_scoped3A_40, %dma_wait3A_85] : memref<4x64xi32, #tpu.memory_space<vmem>> -> memref<1x64xi32, #tpu.memory_space<vmem>>
      %dma_wait3A_87 = tpu.memref_squeeze %dma_wait3A_86 : memref<1x64xi32, #tpu.memory_space<vmem>> -> memref<64xi32, #tpu.memory_space<vmem>>
      %dma_wait3A_88 = tpu.memref_slice %arg3[%add3A_39] : memref<8192xi32, #tpu.memory_space<hbm>> -> memref<64xi32, #tpu.memory_space<hbm>>
      %dma_wait3A_89 = arith.constant 0 : i32
      %dma_wait3A_90 = tpu.memref_slice %arg5[%run_scoped3A_40, %dma_wait3A_89] : memref<4x64xi32, #tpu.memory_space<vmem>> -> memref<1x64xi32, #tpu.memory_space<vmem>>
      %dma_wait3A_91 = tpu.memref_squeeze %dma_wait3A_90 : memref<1x64xi32, #tpu.memory_space<vmem>> -> memref<64xi32, #tpu.memory_space<vmem>>
      %dma_wait3A_92 = tpu.memref_slice %arg3[%add3A_39] : memref<8192xi32, #tpu.memory_space<hbm>> -> memref<64xi32, #tpu.memory_space<hbm>>
      tpu.wait_dma2 semaphore(%run_scoped3A_76 : memref<!tpu.dma_semaphore, #tpu.memory_space<semaphore_mem>>) src(%dma_wait3A_92 : memref<64xi32, #tpu.memory_space<hbm>>) dst(%dma_wait3A_91 : memref<64xi32, #tpu.memory_space<vmem>>)
      tpu.yield
    }) : () -> ()
    %dma_start3A_41 = arith.constant 2 : i32
    %dma_start3A_42 = arith.constant 0 : i32
    %dma_start3A_43 = tpu.memref_slice %arg5[%dma_start3A_41, %dma_start3A_42] : memref<4x64xi32, #tpu.memory_space<vmem>> -> memref<1x64xi32, #tpu.memory_space<vmem>>
    %dma_start3A_44 = tpu.memref_squeeze %dma_start3A_43 : memref<1x64xi32, #tpu.memory_space<vmem>> -> memref<64xi32, #tpu.memory_space<vmem>>
    %dma_start3A_45 = arith.constant 0 : i32
    %dma_start3A_46 = arith.constant 0 : i32
    %dma_start3A_47 = tpu.memref_slice %arg2[%dma_start3A_45, %dma_start3A_46] : memref<8704x1024xf32, #tpu.memory_space<hbm>> -> memref<8704x1024xf32, #tpu.memory_space<hbm>>
    tpu.enqueue_indirect_dma source(%dma_start3A_47 : memref<8704x1024xf32, #tpu.memory_space<hbm>>) target(%arg6 : memref<64x1024xf32, #tpu.memory_space<vmem>>) offsets(%dma_start3A_44 : memref<64xi32, #tpu.memory_space<vmem>>) semaphore(%arg7 : memref<!tpu.dma_semaphore, #tpu.memory_space<semaphore_mem>>)
    %dma_wait3A_48 = arith.constant 2 : i32
    %dma_wait3A_49 = arith.constant 0 : i32
    %dma_wait3A_50 = tpu.memref_slice %arg5[%dma_wait3A_48, %dma_wait3A_49] : memref<4x64xi32, #tpu.memory_space<vmem>> -> memref<1x64xi32, #tpu.memory_space<vmem>>
    %dma_wait3A_51 = tpu.memref_squeeze %dma_wait3A_50 : memref<1x64xi32, #tpu.memory_space<vmem>> -> memref<64xi32, #tpu.memory_space<vmem>>
    %dma_wait3A_52 = arith.constant 0 : i32
    %dma_wait3A_53 = arith.constant 0 : i32
    %dma_wait3A_54 = tpu.memref_slice %arg2[%dma_wait3A_52, %dma_wait3A_53] : memref<8704x1024xf32, #tpu.memory_space<hbm>> -> memref<8704x1024xf32, #tpu.memory_space<hbm>>
    tpu.wait_indirect_dma semaphore(%arg7 : memref<!tpu.dma_semaphore, #tpu.memory_space<semaphore_mem>>) src(%dma_wait3A_54 : memref<8704x1024xf32, #tpu.memory_space<hbm>>) dst(%arg6 : memref<64x1024xf32, #tpu.memory_space<vmem>>)
    %add3A_55 = arith.constant 128 : i32
    %add3A_56 = arith.addi %mul3A_2, %add3A_55 : i32
    "tpu.region"() ({
      %run_scoped3A_76 = tpu.sem_alloc : memref<!tpu.dma_semaphore, #tpu.memory_space<semaphore_mem>>
      %dma_start3A_77 = arith.constant 0 : i32
      %dma_start3A_78 = tpu.memref_slice %arg4[%add3A_56, %dma_start3A_77] : memref<8192x1024xf32, #tpu.memory_space<hbm>> -> memref<64x1024xf32, #tpu.memory_space<hbm>>
      %dma_start3A_79 = arith.constant 0 : i32
      %dma_start3A_80 = tpu.memref_slice %arg4[%add3A_56, %dma_start3A_79] : memref<8192x1024xf32, #tpu.memory_space<hbm>> -> memref<64x1024xf32, #tpu.memory_space<hbm>>
      tpu.enqueue_dma source(%arg6 : memref<64x1024xf32, #tpu.memory_space<vmem>>) target(%dma_start3A_80 : memref<64x1024xf32, #tpu.memory_space<hbm>>) target_semaphore(%run_scoped3A_76 : memref<!tpu.dma_semaphore, #tpu.memory_space<semaphore_mem>>)
      %dma_wait3A_81 = arith.constant 0 : i32
      %dma_wait3A_82 = tpu.memref_slice %arg4[%add3A_56, %dma_wait3A_81] : memref<8192x1024xf32, #tpu.memory_space<hbm>> -> memref<64x1024xf32, #tpu.memory_space<hbm>>
      %dma_wait3A_83 = arith.constant 0 : i32
      %dma_wait3A_84 = tpu.memref_slice %arg4[%add3A_56, %dma_wait3A_83] : memref<8192x1024xf32, #tpu.memory_space<hbm>> -> memref<64x1024xf32, #tpu.memory_space<hbm>>
      tpu.wait_dma2 semaphore(%run_scoped3A_76 : memref<!tpu.dma_semaphore, #tpu.memory_space<semaphore_mem>>) src(%arg6 : memref<64x1024xf32, #tpu.memory_space<vmem>>) dst(%dma_wait3A_84 : memref<64x1024xf32, #tpu.memory_space<hbm>>)
      tpu.yield
    }) : () -> ()
    %add3A_57 = arith.constant 192 : i32
    %add3A_58 = arith.addi %mul3A_2, %add3A_57 : i32
    %run_scoped3A_59 = arith.constant 3 : i32
    "tpu.region"() ({
      %run_scoped3A_76 = tpu.sem_alloc : memref<!tpu.dma_semaphore, #tpu.memory_space<semaphore_mem>>
      %dma_start3A_77 = arith.constant 0 : i32
      %dma_start3A_78 = tpu.memref_slice %arg5[%run_scoped3A_59, %dma_start3A_77] : memref<4x64xi32, #tpu.memory_space<vmem>> -> memref<1x64xi32, #tpu.memory_space<vmem>>
      %dma_start3A_79 = tpu.memref_squeeze %dma_start3A_78 : memref<1x64xi32, #tpu.memory_space<vmem>> -> memref<64xi32, #tpu.memory_space<vmem>>
      %dma_start3A_80 = tpu.memref_slice %arg3[%add3A_58] : memref<8192xi32, #tpu.memory_space<hbm>> -> memref<64xi32, #tpu.memory_space<hbm>>
      %dma_start3A_81 = arith.constant 0 : i32
      %dma_start3A_82 = tpu.memref_slice %arg5[%run_scoped3A_59, %dma_start3A_81] : memref<4x64xi32, #tpu.memory_space<vmem>> -> memref<1x64xi32, #tpu.memory_space<vmem>>
      %dma_start3A_83 = tpu.memref_squeeze %dma_start3A_82 : memref<1x64xi32, #tpu.memory_space<vmem>> -> memref<64xi32, #tpu.memory_space<vmem>>
      %dma_start3A_84 = tpu.memref_slice %arg3[%add3A_58] : memref<8192xi32, #tpu.memory_space<hbm>> -> memref<64xi32, #tpu.memory_space<hbm>>
      tpu.enqueue_dma source(%dma_start3A_84 : memref<64xi32, #tpu.memory_space<hbm>>) target(%dma_start3A_83 : memref<64xi32, #tpu.memory_space<vmem>>) target_semaphore(%run_scoped3A_76 : memref<!tpu.dma_semaphore, #tpu.memory_space<semaphore_mem>>)
      %dma_wait3A_85 = arith.constant 0 : i32
      %dma_wait3A_86 = tpu.memref_slice %arg5[%run_scoped3A_59, %dma_wait3A_85] : memref<4x64xi32, #tpu.memory_space<vmem>> -> memref<1x64xi32, #tpu.memory_space<vmem>>
      %dma_wait3A_87 = tpu.memref_squeeze %dma_wait3A_86 : memref<1x64xi32, #tpu.memory_space<vmem>> -> memref<64xi32, #tpu.memory_space<vmem>>
      %dma_wait3A_88 = tpu.memref_slice %arg3[%add3A_58] : memref<8192xi32, #tpu.memory_space<hbm>> -> memref<64xi32, #tpu.memory_space<hbm>>
      %dma_wait3A_89 = arith.constant 0 : i32
      %dma_wait3A_90 = tpu.memref_slice %arg5[%run_scoped3A_59, %dma_wait3A_89] : memref<4x64xi32, #tpu.memory_space<vmem>> -> memref<1x64xi32, #tpu.memory_space<vmem>>
      %dma_wait3A_91 = tpu.memref_squeeze %dma_wait3A_90 : memref<1x64xi32, #tpu.memory_space<vmem>> -> memref<64xi32, #tpu.memory_space<vmem>>
      %dma_wait3A_92 = tpu.memref_slice %arg3[%add3A_58] : memref<8192xi32, #tpu.memory_space<hbm>> -> memref<64xi32, #tpu.memory_space<hbm>>
      tpu.wait_dma2 semaphore(%run_scoped3A_76 : memref<!tpu.dma_semaphore, #tpu.memory_space<semaphore_mem>>) src(%dma_wait3A_92 : memref<64xi32, #tpu.memory_space<hbm>>) dst(%dma_wait3A_91 : memref<64xi32, #tpu.memory_space<vmem>>)
      tpu.yield
    }) : () -> ()
    %dma_start3A_60 = arith.constant 3 : i32
    %dma_start3A_61 = arith.constant 0 : i32
    %dma_start3A_62 = tpu.memref_slice %arg5[%dma_start3A_60, %dma_start3A_61] : memref<4x64xi32, #tpu.memory_space<vmem>> -> memref<1x64xi32, #tpu.memory_space<vmem>>
    %dma_start3A_63 = tpu.memref_squeeze %dma_start3A_62 : memref<1x64xi32, #tpu.memory_space<vmem>> -> memref<64xi32, #tpu.memory_space<vmem>>
    %dma_start3A_64 = arith.constant 0 : i32
    %dma_start3A_65 = arith.constant 0 : i32
    %dma_start3A_66 = tpu.memref_slice %arg2[%dma_start3A_64, %dma_start3A_65] : memref<8704x1024xf32, #tpu.memory_space<hbm>> -> memref<8704x1024xf32, #tpu.memory_space<hbm>>
    tpu.enqueue_indirect_dma source(%dma_start3A_66 : memref<8704x1024xf32, #tpu.memory_space<hbm>>) target(%arg6 : memref<64x1024xf32, #tpu.memory_space<vmem>>) offsets(%dma_start3A_63 : memref<64xi32, #tpu.memory_space<vmem>>) semaphore(%arg7 : memref<!tpu.dma_semaphore, #tpu.memory_space<semaphore_mem>>)
    %dma_wait3A_67 = arith.constant 3 : i32
    %dma_wait3A_68 = arith.constant 0 : i32
    %dma_wait3A_69 = tpu.memref_slice %arg5[%dma_wait3A_67, %dma_wait3A_68] : memref<4x64xi32, #tpu.memory_space<vmem>> -> memref<1x64xi32, #tpu.memory_space<vmem>>
    %dma_wait3A_70 = tpu.memref_squeeze %dma_wait3A_69 : memref<1x64xi32, #tpu.memory_space<vmem>> -> memref<64xi32, #tpu.memory_space<vmem>>
    %dma_wait3A_71 = arith.constant 0 : i32
    %dma_wait3A_72 = arith.constant 0 : i32
    %dma_wait3A_73 = tpu.memref_slice %arg2[%dma_wait3A_71, %dma_wait3A_72] : memref<8704x1024xf32, #tpu.memory_space<hbm>> -> memref<8704x1024xf32, #tpu.memory_space<hbm>>
    tpu.wait_indirect_dma semaphore(%arg7 : memref<!tpu.dma_semaphore, #tpu.memory_space<semaphore_mem>>) src(%dma_wait3A_73 : memref<8704x1024xf32, #tpu.memory_space<hbm>>) dst(%arg6 : memref<64x1024xf32, #tpu.memory_space<vmem>>)
    %add3A_74 = arith.constant 192 : i32
    %add3A_75 = arith.addi %mul3A_2, %add3A_74 : i32
    "tpu.region"() ({
      %run_scoped3A_76 = tpu.sem_alloc : memref<!tpu.dma_semaphore, #tpu.memory_space<semaphore_mem>>
      %dma_start3A_77 = arith.constant 0 : i32
      %dma_start3A_78 = tpu.memref_slice %arg4[%add3A_75, %dma_start3A_77] : memref<8192x1024xf32, #tpu.memory_space<hbm>> -> memref<64x1024xf32, #tpu.memory_space<hbm>>
      %dma_start3A_79 = arith.constant 0 : i32
      %dma_start3A_80 = tpu.memref_slice %arg4[%add3A_75, %dma_start3A_79] : memref<8192x1024xf32, #tpu.memory_space<hbm>> -> memref<64x1024xf32, #tpu.memory_space<hbm>>
      tpu.enqueue_dma source(%arg6 : memref<64x1024xf32, #tpu.memory_space<vmem>>) target(%dma_start3A_80 : memref<64x1024xf32, #tpu.memory_space<hbm>>) target_semaphore(%run_scoped3A_76 : memref<!tpu.dma_semaphore, #tpu.memory_space<semaphore_mem>>)
      %dma_wait3A_81 = arith.constant 0 : i32
      %dma_wait3A_82 = tpu.memref_slice %arg4[%add3A_75, %dma_wait3A_81] : memref<8192x1024xf32, #tpu.memory_space<hbm>> -> memref<64x1024xf32, #tpu.memory_space<hbm>>
      %dma_wait3A_83 = arith.constant 0 : i32
      %dma_wait3A_84 = tpu.memref_slice %arg4[%add3A_75, %dma_wait3A_83] : memref<8192x1024xf32, #tpu.memory_space<hbm>> -> memref<64x1024xf32, #tpu.memory_space<hbm>>
      tpu.wait_dma2 semaphore(%run_scoped3A_76 : memref<!tpu.dma_semaphore, #tpu.memory_space<semaphore_mem>>) src(%arg6 : memref<64x1024xf32, #tpu.memory_space<vmem>>) dst(%dma_wait3A_84 : memref<64x1024xf32, #tpu.memory_space<hbm>>)
      tpu.yield
    }) : () -> ()
    return
  }
}

module attributes {stable_mosaic.version = 14 : i64} {
  func.func @_ln_kernel(%arg0: i32, %arg1: memref<512x1024xf32, #tpu.memory_space<vmem>>, %arg2: memref<1x1024xf32, #tpu.memory_space<vmem>>, %arg3: memref<1x1024xf32, #tpu.memory_space<vmem>>, %arg4: memref<512x1024xf32, #tpu.memory_space<vmem>>) attributes {dimension_semantics = [#tpu.dimension_semantics<arbitrary>], iteration_bounds = array<i64: 16>, scalar_prefetch = 0 : i64, scratch_operands = 0 : i64, tpu.core_type = #tpu.core_type<tc>, window_params = [{transform_indices = @transform_0, window_bounds = array<i64: 512, 1024>}, {pipeline_mode = #tpu.pipeline_mode<synchronous>, transform_indices = @transform_1, window_bounds = array<i64: 1, 1024>}, {pipeline_mode = #tpu.pipeline_mode<synchronous>, transform_indices = @transform_2, window_bounds = array<i64: 1, 1024>}, {transform_indices = @transform_3, window_bounds = array<i64: 512, 1024>}]} {
    %get3A = arith.constant 0 : index
    %get3A_0 = arith.constant 0 : index
    %get3A_1 = vector.load %arg1[%get3A, %get3A_0] : memref<512x1024xf32, #tpu.memory_space<vmem>>, vector<512x1024xf32>
    %reduce_sum3A = arith.constant dense<0.000000e+00> : vector<512xf32>
    %reduce_sum3A_2 = vector.multi_reduction <add>, %get3A_1, %reduce_sum3A [1] : vector<512x1024xf32> to vector<512xf32>
    %broadcast_in_dim3A = vector.shape_cast %reduce_sum3A_2 : vector<512xf32> to vector<512x1xf32>
    %div3A = arith.constant 1.024000e+03 : f32
    %div3A_3 = vector.broadcast %div3A : f32 to vector<512x1xf32>
    %div3A_4 = arith.divf %broadcast_in_dim3A, %div3A_3 : vector<512x1xf32>
    %sub3A = vector.broadcast %div3A_4 : vector<512x1xf32> to vector<512x1024xf32>
    %sub3A_5 = arith.subf %get3A_1, %sub3A : vector<512x1024xf32>
    %integer_pow3A = arith.mulf %sub3A_5, %sub3A_5 : vector<512x1024xf32>
    %reduce_sum3A_6 = arith.constant dense<0.000000e+00> : vector<512xf32>
    %reduce_sum3A_7 = vector.multi_reduction <add>, %integer_pow3A, %reduce_sum3A_6 [1] : vector<512x1024xf32> to vector<512xf32>
    %broadcast_in_dim3A_8 = vector.shape_cast %reduce_sum3A_7 : vector<512xf32> to vector<512x1xf32>
    %div3A_9 = arith.constant 1.024000e+03 : f32
    %div3A_10 = vector.broadcast %div3A_9 : f32 to vector<512x1xf32>
    %div3A_11 = arith.divf %broadcast_in_dim3A_8, %div3A_10 : vector<512x1xf32>
    %sub3A_12 = vector.broadcast %div3A_4 : vector<512x1xf32> to vector<512x1024xf32>
    %sub3A_13 = arith.subf %get3A_1, %sub3A_12 : vector<512x1024xf32>
    %add3A = arith.constant 9.99999974E-6 : f32
    %add3A_14 = vector.broadcast %add3A : f32 to vector<512x1xf32>
    %add3A_15 = arith.addf %div3A_11, %add3A_14 : vector<512x1xf32>
    %sqrt3A = math.sqrt %add3A_15 : vector<512x1xf32>
    %div3A_16 = vector.broadcast %sqrt3A : vector<512x1xf32> to vector<512x1024xf32>
    %div3A_17 = arith.divf %sub3A_13, %div3A_16 : vector<512x1024xf32>
    %get3A_18 = arith.constant 0 : index
    %get3A_19 = arith.constant 0 : index
    %get3A_20 = vector.load %arg2[%get3A_18, %get3A_19] : memref<1x1024xf32, #tpu.memory_space<vmem>>, vector<1x1024xf32>
    %mul3A = vector.broadcast %get3A_20 : vector<1x1024xf32> to vector<512x1024xf32>
    %mul3A_21 = arith.mulf %div3A_17, %mul3A : vector<512x1024xf32>
    %get3A_22 = arith.constant 0 : index
    %get3A_23 = arith.constant 0 : index
    %get3A_24 = vector.load %arg3[%get3A_22, %get3A_23] : memref<1x1024xf32, #tpu.memory_space<vmem>>, vector<1x1024xf32>
    %add3A_25 = vector.broadcast %get3A_24 : vector<1x1024xf32> to vector<512x1024xf32>
    %add3A_26 = arith.addf %mul3A_21, %add3A_25 : vector<512x1024xf32>
    %swap3A = arith.constant 0 : index
    %swap3A_27 = arith.constant 0 : index
    %swap3A_28 = vector.load %arg4[%swap3A, %swap3A_27] : memref<512x1024xf32, #tpu.memory_space<vmem>>, vector<512x1024xf32>
    tpu.vector_store %arg4[%swap3A, %swap3A_27], %add3A_26 {strides = array<i32>} : memref<512x1024xf32, #tpu.memory_space<vmem>>, vector<512x1024xf32>,
    return
  }
  func.func @transform_0(%arg0: i32) -> (i32, i32) {
    %c0_i32 = arith.constant 0 : i32
    %c0_i32_0 = arith.constant 0 : i32
    return %arg0, %c0_i32 : i32, i32
  }
  func.func @transform_1(%arg0: i32) -> (i32, i32) {
    %c0_i32 = arith.constant 0 : i32
    %c0_i32_0 = arith.constant 0 : i32
    %c0_i32_1 = arith.constant 0 : i32
    return %c0_i32, %c0_i32_0 : i32, i32
  }
  func.func @transform_2(%arg0: i32) -> (i32, i32) {
    %c0_i32 = arith.constant 0 : i32
    %c0_i32_0 = arith.constant 0 : i32
    %c0_i32_1 = arith.constant 0 : i32
    return %c0_i32, %c0_i32_0 : i32, i32
  }
  func.func @transform_3(%arg0: i32) -> (i32, i32) {
    %c0_i32 = arith.constant 0 : i32
    %c0_i32_0 = arith.constant 0 : i32
    return %arg0, %c0_i32 : i32, i32
  }
}

</mosaic_0001>

<sc_bundles>
// kernel: gather_offload_async_start
scs
__scs_entry_jumppad:
0x0: {  	(pc) =	sbr.rel $0x88, $3  }
0x1: {  	(tag) =	ssettag $0x0;
	lr =	simm.s32 $0x1  }
0x2: {  	[smem:$0x3F95] =	sst lr;
	_ =	strace $0xD0000000  }
0x3: {  	_ = 	snop  }
0x4: {  	_ = 	snop  }
0x5: {  	_ = 	snop  }
0x6: {  	_ = 	snop  }
0x7: {  	_ = 	snop  }
__scs_overlays_trampoline_lowered:
0x8: {  	[smem:$0x3FA4] =	sst s0  }
0x9: {  	[smem:$0x3FA5] =	sst s1  }
0xa: {  	[smem:$0x3FA6] =	sst s2  }
0xb: {  	[smem:$0x3FA7] =	sst s3  }
0xc: {  	[smem:$0x3FA8] =	sst s4  }
0xd: {  	[smem:$0x3FA9] =	sst s5  }
0xe: {  	[smem:$0x3FAA] =	sst s6  }
0xf: {  	[smem:$0x3FAB] =	sst s7  }
0x10: {  	[smem:$0x3FAC] =	sst s8  }
0x11: {  	[smem:$0x3FAD] =	sst s9;
	s0 =	simm.s32 @!p0 $0x0  }
0x12: {  	s1 =	sld [smem:$0x3F93];
	s0 =	simm.s32 @p0 $0x1  }
0x13: {  	[smem:$0x3FAE] =	sst s0;
	s0 =	simm.s32 @!p1 $0x0  }
0x14: {  	s2 =	sld [smem:$0x3F92];
	s0 =	simm.s32 @p1 $0x1  }
0x15: {  	[smem:$0x3FAF] =	sst s0;
	s0 =	simm.s32 @!p2 $0x0  }
0x16: {  	s3 =	sld [smem:$0x3FDB];
	s0 =	simm.s32 @p2 $0x1  }
0x17: {  	s4 =	simm.s32 $0x1BF5;
	[smem:$0x3FB1] =	sst s0  }
0x18: {  	s0 =	sld [smem:$0x3F94];
	_ =	swait.ge [sflag:s4], $0x0  }
0x19: {  	s7 =	sld [smem:$0x3F95]  }
0x1a: {  	s8 =	sadd.s32 $0xFFFFE003, lr  }
0x1b: {  	s9 =	sadd.s32 $0xFFFFFEF7, lr;
	s5 =	simm.s32 $0xFFFFFFFF;
	p2 =	slt.u32 s8, $0xFFFFF086  }
0x1c: {  	p1 =	slt.u32 s9, $0xF7A;
	s5 =	simm.s32 @!p2 $0x0  }
0x1d: {  	s5 =	simm.s32 @p1 $0x1;
	p0 =	seq.s32 s7, s2  }
0x1e: {  	s7 =	smul.u32 @!p0 $0xF7A, s2;
	p2 =	seq.s32 @!p0 s5, $0x0  }
0x1f: {  	s9 =	smul.u32 $0xF7A, s1;
	s8 =	simm.s32 @!p0 $0x1BF5;
	p2 =	por !p2, p0  }
0x20: {  	[sflag:s8] =	ssyncset.s32 @!p0 $0xFFFFF086;
	s6 =	sadd.s32 @!p0 s3, s7;
	s7 =	simm.s32 @!p0 $0x108  }
0x21: {  	s3 =	sadd.s32 s3, s9;
	s6 =	sadd.s32 @!p0 $0x88, s6;
	s7 =	simm.s32 @p2 $0x1082  }
0x22: {  	[simem:s7], [sflag:s8] =	dma.local @!p0 [hbm:s6], $0xF7A  }
0x23: {  	s9 =	sor.u32 $0xD0000000, s2;
	s6 =	simm.s32 $0x108;
	_ =	swait.ge @!p0 [sflag:s8], $0x0  }
0x24: {  	s3 =	sadd.s32 $0x88, s3;
	s6 =	simm.s32 @!p1 $0x1082;
	[sflag:s4] =	ssyncset.s32 $0xFFFFF086  }
0x25: {  	[simem:s6], [sflag:s4] =	dma.local [hbm:s3], $0xF7A  }
0x26: {  	[smem:$0x3F95] =	sst s1;
	(tag) =	ssettag s2;
	_ =	strace s9  }
0x27: {  	s1 =	sld [smem:$0x3FA5]  }
0x28: {  	s2 =	sld [smem:$0x3FA6]  }
0x29: {  	s4 =	sld [smem:$0x3FA8]  }
0x2a: {  	p0 =	seq.s32 s5, $0x0;
	s5 =	sld [smem:$0x3FA9]  }
0x2b: {  	s6 =	sld [smem:$0x3FAA]  }
0x2c: {  	s7 =	sld [smem:$0x3FAB]  }
0x2d: {  	s3 =	simm.s32 $0x108;
	s8 =	sld [smem:$0x3FAC]  }
0x2e: {  	s3 =	simm.s32 @!p0 $0x1082;
	s9 =	sld [smem:$0x3FAD]  }
0x2f: {  	lr =	sadd.s32 s0, s3;
	s0 =	sld [smem:$0x3FA4]  }
0x30: {  	s3 =	sld [smem:$0x3FA7]  }
0x31: {  	[smem:$0x3FB0] =	sst s10  }
0x32: {  	s10 =	sld [smem:$0x3FAE];
	_ =	sdelay $0x3  }
0x33: {  	p0 =	seq.s32 s10, $0x1;
	s10 =	sld [smem:$0x3FB0];
	_ =	sdelay $0x3  }
0x34: {  	[smem:$0x3FB0] =	sst s10  }
0x35: {  	s10 =	sld [smem:$0x3FAF];
	_ =	sdelay $0x3  }
0x36: {  	p1 =	seq.s32 s10, $0x1;
	s10 =	sld [smem:$0x3FB0];
	_ =	sdelay $0x3  }
0x37: {  	[smem:$0x3FB0] =	sst s10  }
0x38: {  	s10 =	sld [smem:$0x3FB1]  }
0x39: {  	_ = 	snop;
	(pc) =	sbr.ind lr, $3  }
0x3a: {  	_ = 	snop  }
0x3b: {  	_ = 	snop  }
0x3c: {  	p2 =	seq.s32 s10, $0x1;
	s10 =	sld [smem:$0x3FB0]  }
0x3d: {  	_ =	shalt  }
0x3e: {  	_ =	shalt  }
0x3f: {  	_ =	shalt  }
0x40: {  	_ =	shalt  }
0x41: {  	_ =	shalt  }
0x42: {  	_ =	shalt  }
0x43: {  	_ =	shalt  }
0x44: {  	_ =	shalt  }
0x45: {  	_ =	shalt  }
0x46: {  	_ =	shalt  }
0x47: {  	_ =	shalt  }
0x48: {  	_ =	shalt  }
0x49: {  	_ =	shalt  }
0x4a: {  	_ =	shalt  }
0x4b: {  	_ =	shalt  }
0x4c: {  	_ =	shalt  }
0x4d: {  	_ =	shalt  }
0x4e: {  	_ =	shalt  }
0x4f: {  	_ =	shalt  }
0x50: {  	_ =	shalt  }
0x51: {  	_ =	shalt  }
0x52: {  	_ =	shalt  }
0x53: {  	_ =	shalt  }
0x54: {  	_ =	shalt  }
0x55: {  	_ =	shalt  }
0x56: {  	_ =	shalt  }
0x57: {  	_ =	shalt  }
0x58: {  	_ =	shalt  }
0x59: {  	_ =	shalt  }
0x5a: {  	_ =	shalt  }
0x5b: {  	_ =	shalt  }
0x5c: {  	_ =	shalt  }
0x5d: {  	_ =	shalt  }
0x5e: {  	_ =	shalt  }
0x5f: {  	_ =	shalt  }
0x60: {  	_ =	shalt  }
0x61: {  	_ =	shalt  }
0x62: {  	_ =	shalt  }
0x63: {  	_ =	shalt  }
0x64: {  	_ =	shalt  }
0x65: {  	_ =	shalt  }
0x66: {  	_ =	shalt  }
0x67: {  	_ =	shalt  }
0x68: {  	_ =	shalt  }
0x69: {  	_ =	shalt  }
0x6a: {  	_ =	shalt  }
0x6b: {  	_ =	shalt  }
0x6c: {  	_ =	shalt  }
0x6d: {  	_ =	shalt  }
0x6e: {  	_ =	shalt  }
0x6f: {  	_ =	shalt  }
0x70: {  	_ =	shalt  }
0x71: {  	_ =	shalt  }
0x72: {  	_ =	shalt  }
0x73: {  	_ =	shalt  }
0x74: {  	_ =	shalt  }
0x75: {  	_ =	shalt  }
0x76: {  	_ =	shalt  }
0x77: {  	_ =	shalt  }
0x78: {  	_ =	shalt  }
0x79: {  	_ =	shalt  }
0x7a: {  	_ =	shalt  }
0x7b: {  	_ =	shalt  }
0x7c: {  	_ =	shalt  }
0x7d: {  	_ =	shalt  }
0x7e: {  	_ =	shalt  }
0x7f: {  	_ =	shalt  }
0x80: {  	_ =	shalt  }
0x81: {  	_ =	shalt  }
0x82: {  	_ =	shalt  }
0x83: {  	_ =	shalt  }
0x84: {  	_ =	shalt  }
0x85: {  	_ =	shalt  }
0x86: {  	_ =	shalt  }
0x87: {  	_ =	shalt  }
.Lfunc_end0:
.L_simem_size_0:
called_computation.2_lowered:
.L_overlay_start_0:
0x88: {  	s2 =	sld [smem:$0x3FD9]  }
0x89: {  	s3 =	sld [smem:$0x3FFE];
	_ =	sdelay $0x1  }
0x8a: {  	s1 =	srdreg.scid  }
0x8b: {  	s0 =	sand.u32 $0x1, s1  }
0x8c: {  	s14 =	sshll.u32 s0, $0xA;
	s2 =	sadd.s32 s3, s2  }
0x8d: {  	s2 =	sadd.s32 s2, s14  }
0x8e: {  	[smem:$0x3FBC] =	sst s2  }
0x8f: {  	_ = 	snop  }
0x90: {  	s2 =	sld [smem:$0x3FD0];
	_ =	sdelay $0x2  }
0x91: {  	s15 =	simm.s32 $0xA;
	s4 =	simm.s32 $0x10  }
0x92: {  	[smem:s4], [sflag:s15] =	dma.local [hbm:s2], $0x1  }
0x93: {  	_ =	swait.eq [sflag:s15], $0x1  }
0x94: {  	[sflag:s15] =	ssyncset.done $0x0  }
0x95: {  	[sflag:s15] =	ssyncadd.s32 $0xFFFFFFFF  }
0x96: {  	s16 =	sld [smem:$0x10];
	(tm) =	ssettm $0x1  }
0x97: {  	s17 =	sld [smem:$0x3FFB];
	_ =	sdelay $0x3  }
0x98: {  	_ =	strace s17  }
0x99: {  	s3 =	sld [smem:$0x3FFC];
	_ =	sdelay $0x3  }
0x9a: {  	_ =	strace s3  }
0x9b: {  	s3 =	sld [smem:$0x3FFD];
	_ =	sdelay $0x3  }
0x9c: {  	_ =	strace s3  }
0x9d: {  	_ =	strace $0x8FFFFFFF  }
0x9e: {  	s18 =	sld [smem:$0x3FDB];
	_ =	sdelay $0x1  }
0x9f: {  	s19 =	simm.s32 $_scs_section_size  }
0xa0: {  	s5 =	simm.s32 $_size__tile_overlayer_lowered;
	s6 =	simm.s32 $_tile_overlayer_lowered  }
0xa1: {  	s22 =	simm.s32 $0x1BFF;
	s21 =	sshll.u32 s6, $0x1;
	s3 =	sadd.s32 s19, s18  }
0xa2: {  	s7 =	simm.s32 $0x0;
	s20 =	sshll.u32 s5, $0x1;
	s5 =	sadd.s32 s21, s3  }
0xa3: {  	[timem:s7], [sflag:s22] =	dma.local [hbm:s5], s20  }
0xa4: {  	_ =	swait.ge [sflag:s22], s20  }
0xa5: {  	s4 =	ssub.s32 $0x0, s20;
	[sflag:s22] =	ssyncset.done $0x0  }
0xa6: {  	[sflag:s22] =	ssyncadd.s32 s4;
	_ =	sdelay $0x1  }
0xa7: {  	s23 =	simm.s32 $0x1B8B  }
0xa8: {  	_ =	swait.ge [sflag:s23], $0x1  }
0xa9: {  	[sflag:s23] =	ssyncset.done $0x0  }
0xaa: {  	s25 =	simm.s32 $0x1B8E;
	s24 =	sld [smem:$0x3FFE];
	[sflag:s23] =	ssyncadd.s32 $0xFFFFFFFF  }
0xab: {  	s26 =	simm.s32 $execute0_lowered;
	[smem:$0x3FD2] =	sst s25  }
0xac: {  	s5 =	sshll.u32 s26, $0x1;
	_ =	strace $0x8000004C;
	[dreg:$0x1] =	wrdreg $0xFFFFFFFF  }
0xad: {  	s28 =	simm.s32 $_size_execute0_lowered;
	s3 =	sadd.s32 s3, s5;
	[dreg:$0x0] =	wrdreg $0x0  }
0xae: {  	s5 =	sshll.u32 s28, $0x1;
	[dreg:$0x2] =	wrdreg s3  }
0xaf: {  	[dreg:$0x3] =	wrdreg s5  }
0xb0: {  	[dreg:$0x4] =	wrdreg $0xC0  }
0xb1: {  	_ =	task [dreg:s7], $0x5FFFF  }
0xb2: {  	[dreg:$0x1] =	wrdreg $0xFFFFFFFF  }
0xb3: {  	[dreg:$0x0] =	wrdreg $0x60  }
0xb4: {  	[dreg:$0x2] =	wrdreg s24  }
0xb5: {  	[dreg:$0x3] =	wrdreg s16  }
0xb6: {  	[dreg:$0x4] =	wrdreg $0x9  }
0xb7: {  	_ =	task.clear_ibuf [dreg:s7], $0x5FFFF;
	_ =	strace $0x9000004C  }
0xb8: {  	s29 =	simm.s32 $0x9;
	_ =	strace $0x8000004E  }
0xb9: {  	_ =	swait.ge [sflag:s29], $0x1  }
0xba: {  	[sflag:s29] =	ssyncadd.s32 $0xFFFFFFFF  }
0xbb: {  	_ =	strace $0x9000004E  }
0xbc: {  	_ =	sfence  }
0xbd: {  	s30 =	sld [smem:$0x0];
	_ =	sdelay $0x2  }
0xbe: {  	s31 =	sshll.u32 s1, $0xD;
	s1 =	sshrl.u32 s1, $0x2  }
0xbf: {  	s3 =	sand.u32 $0x4000, s31;
	s1 =	sadd.s32 s1, s30  }
0xc0: {  	s0 =	sor.u32 s3, s0;
	s1 =	sshll.u32 s1, $0x11  }
0xc1: {  	s0 =	sor.u32 s1, s0  }
0xc2: {  	s0 =	sadd.s32 $0x8F2B, s0  }
0xc3: {  	[sflag:s0] =	ssyncadd.remote.s32 $0x1  }
0xc4: {  	_ =	sfence.sel $0xFFFF  }
0xc5: {  	[dreg:$0x0] =	wrdreg $0xFFFFFFFF;
	(pc) =	sbr.abs _section_cstart, $3  }
0xc6: {  	[dreg:$0x1] =	wrdreg $0xFFFFFFFF  }
0xc7: {  	_ =	task.clear_ibuf [dreg:s7], $0x2FFFF;
	_ =	strace $0x9FFFFFFF  }
0xc8: {  	(tm) =	ssettm $0x7FFFFFFF  }
0xc9: {  	_ =	shalt  }
tec
execute0_lowered:
.L_overlay_start_1:
0x0: {  	(tag) =	ssettag $0x1  }
0x1: {  	s1 =	srdreg.scid;
	s5 =	rddreg [dreg:$0x0]  }
0x2: {  	s0 =	stileid.u32;
	s2 =	rddreg [dreg:$0x1];
	s6 =	simm.s32 $0x1  }
0x3: {  	s9 =	simm.s32 $0x1;
	s10 =	simm.s32 $0x3;
	s1 =	sshll.u32 s1, $0x7  }
0x4: {  	s13 =	simm.s32 $0x0;
	s3 =	sshll.u32 s0, $0x8;
	s4 =	sand.u32 $0x80, s1  }
0x5: {  	s12 =	simm.s32 $0x0;
	s1 =	rddreg [dreg:$0x2];
	s3 =	sor.u32 s3, s4  }
0x6: {  	_ =	strace $0x8000004D;
	s4 =	sadd.s32 $0xC00, s5;
	s8 =	ssub.s32 $0x2000, s3  }
.Ltmp0:
0x7: {  	s5 =	sadd.s32 $0x800, s5;
	s7 =	sand.u32 $0xF80, s8;
	(pc) =	sbr.rel .LBB2_1-.Ltmp0, $4  }
0x8: {  	[sflag:s6] =	ssyncpa.u1 $0x0;
	s11 =	smov.u32 s3;
	p0 =	sne.s32 s7, $0x0  }
0x9: {  	s8 =	sshrl.u32 s8, $0xC;
	s7 =	simm.s32 $0x2;
	s9 =	simm.s32 @!p0 $0x0  }
0xa: {  	[sflag:s7] =	ssyncpa.u1 $0x0;
	p0 =	por $0x0, $0x0;
	s8 =	sadd.s32 s9, s8  }
0xb: {  	vm0 =	vmmov $0xffff;
	[sflag:s10] =	ssyncpa.u1 $0x0;
	s10 =	simm.s32 $0x0;
	s9 =	sadd.s32 $0x1, s8  }
.LBB2_4:
0xc: {  	v2 =	vnsel vm1, $0x0, v2  }
0xd: {  	vm1 =	vgt.s32 v0, $0x0;
	v2 =	vmin.u32 v2, $0x1FFF  }
0xe: {  	v0 =	vnsel vm1, $0x0, v0  }
0xf: {  	v0 =	vmin.u32 v0, $0x1FFF  }
0x10: {  	[tilespmem:s15], [sflag:$0x1] =	stream.indirect_vreg.gather [hbm4b:s4+s10], $0x1, v1, vm0, $0x4038;
	[tilespmem:$0x200] =	vst v63  }
0x11: {  	(ifvalue) =	ssetifvalue $0x7FFFFFFF  }
0x12: {  	[tilespmem:s16], [sflag:$0x1] =	stream.indirect_vreg.gather [hbm4b:s4+s10], $0x1, v2, vm0, $0x4038;
	[tilespmem:$0x200] =	vst v63  }
0x13: {  	s29 =	sadd.s32 $0x10, s16;
	(ifvalue) =	ssetifvalue $0x7FFFFFFF  }
0x14: {  	[tilespmem:s29], [sflag:$0x1] =	stream.indirect_vreg.gather [hbm4b:s4+s10], $0x1, v0, vm0, $0x4038;
	[tilespmem:$0x200] =	vst v63  }
0x15: {  	_ =	swait.ge [sflag:s6], $0x80  }
0x16: {  	s30 =	sshrl.u32 s13, $0x3;
	[sflag:s6] =	ssyncset.done $0x0  }
0x17: {  	s31 =	sand.u32 $0x7, s13;
	s15 =	sadd.s32 s2, s30;
	[sflag:s6] =	ssyncadd.s32 $0xFFFFFF80  }
0x18: {  	[hbm4b:s15+s31] =	stream.linear.scatter [tilespmem:s14], [sflag:$0x3], $0x80, $0x38;
	[tilespmem:$0x200] =	vst v63  }
.LBB2_5:
0x19: {  	s15 =	sadd.s32 $0x1000, s11  }
0x1a: {  	p2 =	sgt.s32 s15, $0x1FFF  }
0x1b: {  	s15 =	smov.u32 @p2 s3;
	p2 =	sne.s32 s12, s9  }
.Ltmp1:
0x1c: {  	p1 =	slt.u32 s12, $0x2;
	(pc) =	sbr.rel @!p2 .LBB2_6-.Ltmp1, $4  }
0x1d: {  	s14 =	simm.s32 @!p1 $0x3  }
0x1e: {  	s16 =	sadd.s32 $0x1, s12;
	_ =	swait.ge @!p1 [sflag:s14], $0x80  }
0x1f: {  	s13 =	smov.u32 s11;
	p0 =	por !p0, !p0;
	[sflag:s14] =	ssyncset.done @!p1 $0x0  }
0x20: {  	s12 =	smov.u32 s16;
	s11 =	smov.u32 s15;
	[sflag:s14] =	ssyncadd.s32 @!p1 $0xFFFFFF80  }
.LBB2_1:
0x21: {  	p1 =	sge.u32 s12, s8  }
0x22: {  	s14 =	sxor.u32 @!p1 $0xFFFFFFFF, s12  }
0x23: {  	s31 =	sadd.s32 $0xFFFFFFFF, s12;
	s15 =	sshrl.u32 @!p1 s11, $0x3;
	s14 =	sshll.u32 @!p1 s14, $0x7  }
0x24: {  	s16 =	sand.u32 @!p1 $0x7, s11;
	s15 =	sadd.s32 @!p1 s5, s15;
	s14 =	sand.u32 @!p1 $0x80, s14  }
0x25: {  	[tilespmem:s14], [sflag:$0x2] =	stream.linear.gather @!p1 [hbm4b:s15+s16], $0x80, $0x38;
	[tilespmem:$0x200] =	vst v63  }
0x26: {  	p1 =	sge.u32 s31, s8  }
.Ltmp2:
0x27: {  	_ = 	snop;
	(pc) =	sbr.rel @p1 .LBB2_5-.Ltmp2, $1  }
0x28: {  	_ =	sdelay $0x3  }
0x29: {  	s14 =	simm.s32 $0x1  }
0x2a: {  	_ =	swait.ge [sflag:s7], $0x80;
	s14 =	simm.s32 @!p0 $0x0  }
0x2b: {  	[sflag:s7] =	ssyncset.done $0x0;
	s14 =	sshll.u32 s14, $0x7  }
0x2c: {  	[sflag:s7] =	ssyncadd.s32 $0xFFFFFF80;
	(ifvalue) =	ssetifvalue $0x7FFFFFFF;
	v0 =	vld.msk [tilespmem:s14+$0x0 ss:$0x1], $0xffff;
	_ =	sdelay $0x4  }
0x2d: {  	s15 =	sadd.s32 $0x10, s14;
	vm1 =	vgt.s32 v0, $0x0  }
0x2e: {  	v2 =	vld.msk [tilespmem:s15+$0x0 ss:$0x1], $0xffff;
	v1 =	vnsel vm1, $0x0, v0  }
0x2f: {  	v1 =	vmin.u32 v1, $0x1FFF;
	_ =	sdelay $0x1  }
0x30: {  	s16 =	sshll.u32 s12, $0x7;
	s18 =	simm.s32 $0x20  }
0x31: {  	s16 =	sand.u32 $0x80, s16;
	s17 =	sadd.s32 $0x10, s15;
	s15 =	sor.u32 $0x100, s14  }
0x32: {  	s14 =	sor.u32 $0x100, s16;
	s16 =	sadd.s32 $0x10, s15;
	v0 =	vld.msk [tilespmem:s17+$0x0 ss:$0x1], $0xffff;
	vm1 =	vgt.s32 v2, $0x0;
	(ifvalue) =	ssetifvalue $0x7FFFFFFF  }
.LBB2_3:
0x33: {  	[tilespmem:s15], [sflag:$0x1] =	stream.indirect_vreg.gather [hbm4b:s4+s10], $0x1, v1, vm0, $0x4038;
	[tilespmem:$0x200] =	vst v63  }
0x34: {  	s18 =	sadd.s32 $0x10, s18  }
0x35: {  	v2 =	vnsel vm1, $0x0, v2;
	p1 =	slt.u32 s18, $0x70  }
.Ltmp3:
0x36: {  	s15 =	smov.u32 s16;
	v1 =	vmin.u32 v2, $0x1FFF;
	(pc) =	sbr.rel @p1 .LBB2_3-.Ltmp3, $3  }
0x37: {  	_ =	sdelay $0x1  }
0x38: {  	s17 =	sadd.s32 $0x10, s17  }
0x39: {  	vm1 =	vgt.s32 v0, $0x0;
	s16 =	sadd.s32 $0x10, s16;
	v2 =	vmov v0;
	(ifvalue) =	ssetifvalue $0x7FFFFFFF;
	v0 =	vld.msk [tilespmem:s17+$0x0 ss:$0x1], $0xffff  }
.Ltmp4:
0x3a: {  	_ = 	snop;
	(pc) =	sbr.rel .LBB2_4-.Ltmp4, $1  }
0x3b: {  	_ =	sdelay $0x3  }
.LBB2_6:
0x3c: {  	_ =	sfence.sel $0x180000  }
0x3d: {  	s2 =	simm.s32 $0x2;
	[bflag:$0x0] =	sbarrier.arrive $0xFFFF  }
0x3e: {  	s30 =	simm.s32 $0x3;
	[sflag:s2] =	ssyncpa.u1 $0x1  }
0x3f: {  	s31 =	simm.s32 $0x1;
	[sflag:s30] =	ssyncpa.u1 $0x1  }
0x40: {  	[sflag:s31] =	ssyncpa.u1 $0x1  }
0x41: {  	p0 =	sne.s32 s0, $0x0;
	_ =	strace $0x9000004D  }
0x42: {  	s0 =	sadd.s32 @!p0 $0x100000, s1;
	[bflag:$0x2] =	sbarrier.arrive $0xFFFF  }
0x43: {  	[sflag:s0] =	ssyncadd.tile.s32 @!p0 $0x1;
	_ =	shalt  }
.Lfunc_end2:
_tile_overlayer_lowered:
.L_overlay_start_2:
0x44: {  	(tag) =	ssettag $0x2  }
0x45: {  	s0 =	rddreg [dreg:$0x0];
	s2 =	stileid.u32  }
0x46: {  	s1 =	rddreg [dreg:$0x1];
	p0 =	sne.s32 s2, $0x0  }
0x47: {  	s3 =	rddreg [dreg:$0x2];
	[bflag:$0x3] =	sbarrier.arrive $0xFFFF;
	s2 =	simm.s32 @!p0 $0x1C01  }
0x48: {  	[timem:s3], [sflag:s2] =	dma.local @!p0 [hbm:s0], s1  }
0x49: {  	s0 =	simm.s32 @!p0 $0x1  }
0x4a: {  	_ =	swait.ge @!p0 [sflag:s0], s1  }
0x4b: {  	s1 =	ssub.s32 @!p0 $0x0, s1;
	[sflag:s0] =	ssyncset.done @!p0 $0x0  }
0x4c: {  	[sflag:s0] =	ssyncadd.s32 @!p0 s1  }
0x4d: {  	[bflag:$0x3] =	sbarrier.arrive $0xFFFF  }
0x4e: {  	_ =	shalt  }

// kernel: kernel.4.cloned.1.call-start
scs
__scs_entry_jumppad:
0x0: {  	(pc) =	sbr.rel $0x88, $3  }
0x1: {  	(tag) =	ssettag $0x0;
	lr =	simm.s32 $0x1  }
0x2: {  	[smem:$0x3F95] =	sst lr;
	_ =	strace $0xD0000000  }
0x3: {  	_ = 	snop  }
0x4: {  	_ = 	snop  }
0x5: {  	_ = 	snop  }
0x6: {  	_ = 	snop  }
0x7: {  	_ = 	snop  }
__scs_overlays_trampoline_lowered:
0x8: {  	[smem:$0x3FA4] =	sst s0  }
0x9: {  	[smem:$0x3FA5] =	sst s1  }
0xa: {  	[smem:$0x3FA6] =	sst s2  }
0xb: {  	[smem:$0x3FA7] =	sst s3  }
0xc: {  	[smem:$0x3FA8] =	sst s4  }
0xd: {  	[smem:$0x3FA9] =	sst s5  }
0xe: {  	[smem:$0x3FAA] =	sst s6  }
0xf: {  	[smem:$0x3FAB] =	sst s7  }
0x10: {  	[smem:$0x3FAC] =	sst s8  }
0x11: {  	[smem:$0x3FAD] =	sst s9;
	s0 =	simm.s32 @!p0 $0x0  }
0x12: {  	s1 =	sld [smem:$0x3F93];
	s0 =	simm.s32 @p0 $0x1  }
0x13: {  	[smem:$0x3FAE] =	sst s0;
	s0 =	simm.s32 @!p1 $0x0  }
0x14: {  	s2 =	sld [smem:$0x3F92];
	s0 =	simm.s32 @p1 $0x1  }
0x15: {  	[smem:$0x3FAF] =	sst s0;
	s0 =	simm.s32 @!p2 $0x0  }
0x16: {  	s3 =	sld [smem:$0x3FDB];
	s0 =	simm.s32 @p2 $0x1  }
0x17: {  	s4 =	simm.s32 $0x1BF5;
	[smem:$0x3FB1] =	sst s0  }
0x18: {  	s0 =	sld [smem:$0x3F94];
	_ =	swait.ge [sflag:s4], $0x0  }
0x19: {  	s7 =	sld [smem:$0x3F95]  }
0x1a: {  	s8 =	sadd.s32 $0xFFFFE003, lr  }
0x1b: {  	s9 =	sadd.s32 $0xFFFFFEF7, lr;
	s5 =	simm.s32 $0xFFFFFFFF;
	p2 =	slt.u32 s8, $0xFFFFF086  }
0x1c: {  	p1 =	slt.u32 s9, $0xF7A;
	s5 =	simm.s32 @!p2 $0x0  }
0x1d: {  	s5 =	simm.s32 @p1 $0x1;
	p0 =	seq.s32 s7, s2  }
0x1e: {  	s7 =	smul.u32 @!p0 $0xF7A, s2;
	p2 =	seq.s32 @!p0 s5, $0x0  }
0x1f: {  	s9 =	smul.u32 $0xF7A, s1;
	s8 =	simm.s32 @!p0 $0x1BF5;
	p2 =	por !p2, p0  }
0x20: {  	[sflag:s8] =	ssyncset.s32 @!p0 $0xFFFFF086;
	s6 =	sadd.s32 @!p0 s3, s7;
	s7 =	simm.s32 @!p0 $0x108  }
0x21: {  	s3 =	sadd.s32 s3, s9;
	s6 =	sadd.s32 @!p0 $0x88, s6;
	s7 =	simm.s32 @p2 $0x1082  }
0x22: {  	[simem:s7], [sflag:s8] =	dma.local @!p0 [hbm:s6], $0xF7A  }
0x23: {  	s9 =	sor.u32 $0xD0000000, s2;
	s6 =	simm.s32 $0x108;
	_ =	swait.ge @!p0 [sflag:s8], $0x0  }
0x24: {  	s3 =	sadd.s32 $0x88, s3;
	s6 =	simm.s32 @!p1 $0x1082;
	[sflag:s4] =	ssyncset.s32 $0xFFFFF086  }
0x25: {  	[simem:s6], [sflag:s4] =	dma.local [hbm:s3], $0xF7A  }
0x26: {  	[smem:$0x3F95] =	sst s1;
	(tag) =	ssettag s2;
	_ =	strace s9  }
0x27: {  	s1 =	sld [smem:$0x3FA5]  }
0x28: {  	s2 =	sld [smem:$0x3FA6]  }
0x29: {  	s4 =	sld [smem:$0x3FA8]  }
0x2a: {  	p0 =	seq.s32 s5, $0x0;
	s5 =	sld [smem:$0x3FA9]  }
0x2b: {  	s6 =	sld [smem:$0x3FAA]  }
0x2c: {  	s7 =	sld [smem:$0x3FAB]  }
0x2d: {  	s3 =	simm.s32 $0x108;
	s8 =	sld [smem:$0x3FAC]  }
0x2e: {  	s3 =	simm.s32 @!p0 $0x1082;
	s9 =	sld [smem:$0x3FAD]  }
0x2f: {  	lr =	sadd.s32 s0, s3;
	s0 =	sld [smem:$0x3FA4]  }
0x30: {  	s3 =	sld [smem:$0x3FA7]  }
0x31: {  	[smem:$0x3FB0] =	sst s10  }
0x32: {  	s10 =	sld [smem:$0x3FAE];
	_ =	sdelay $0x3  }
0x33: {  	p0 =	seq.s32 s10, $0x1;
	s10 =	sld [smem:$0x3FB0];
	_ =	sdelay $0x3  }
0x34: {  	[smem:$0x3FB0] =	sst s10  }
0x35: {  	s10 =	sld [smem:$0x3FAF];
	_ =	sdelay $0x3  }
0x36: {  	p1 =	seq.s32 s10, $0x1;
	s10 =	sld [smem:$0x3FB0];
	_ =	sdelay $0x3  }
0x37: {  	[smem:$0x3FB0] =	sst s10  }
0x38: {  	s10 =	sld [smem:$0x3FB1]  }
0x39: {  	_ = 	snop;
	(pc) =	sbr.ind lr, $3  }
0x3a: {  	_ = 	snop  }
0x3b: {  	_ = 	snop  }
0x3c: {  	p2 =	seq.s32 s10, $0x1;
	s10 =	sld [smem:$0x3FB0]  }
0x3d: {  	_ =	shalt  }
0x3e: {  	_ =	shalt  }
0x3f: {  	_ =	shalt  }
0x40: {  	_ =	shalt  }
0x41: {  	_ =	shalt  }
0x42: {  	_ =	shalt  }
0x43: {  	_ =	shalt  }
0x44: {  	_ =	shalt  }
0x45: {  	_ =	shalt  }
0x46: {  	_ =	shalt  }
0x47: {  	_ =	shalt  }
0x48: {  	_ =	shalt  }
0x49: {  	_ =	shalt  }
0x4a: {  	_ =	shalt  }
0x4b: {  	_ =	shalt  }
0x4c: {  	_ =	shalt  }
0x4d: {  	_ =	shalt  }
0x4e: {  	_ =	shalt  }
0x4f: {  	_ =	shalt  }
0x50: {  	_ =	shalt  }
0x51: {  	_ =	shalt  }
0x52: {  	_ =	shalt  }
0x53: {  	_ =	shalt  }
0x54: {  	_ =	shalt  }
0x55: {  	_ =	shalt  }
0x56: {  	_ =	shalt  }
0x57: {  	_ =	shalt  }
0x58: {  	_ =	shalt  }
0x59: {  	_ =	shalt  }
0x5a: {  	_ =	shalt  }
0x5b: {  	_ =	shalt  }
0x5c: {  	_ =	shalt  }
0x5d: {  	_ =	shalt  }
0x5e: {  	_ =	shalt  }
0x5f: {  	_ =	shalt  }
0x60: {  	_ =	shalt  }
0x61: {  	_ =	shalt  }
0x62: {  	_ =	shalt  }
0x63: {  	_ =	shalt  }
0x64: {  	_ =	shalt  }
0x65: {  	_ =	shalt  }
0x66: {  	_ =	shalt  }
0x67: {  	_ =	shalt  }
0x68: {  	_ =	shalt  }
0x69: {  	_ =	shalt  }
0x6a: {  	_ =	shalt  }
0x6b: {  	_ =	shalt  }
0x6c: {  	_ =	shalt  }
0x6d: {  	_ =	shalt  }
0x6e: {  	_ =	shalt  }
0x6f: {  	_ =	shalt  }
0x70: {  	_ =	shalt  }
0x71: {  	_ =	shalt  }
0x72: {  	_ =	shalt  }
0x73: {  	_ =	shalt  }
0x74: {  	_ =	shalt  }
0x75: {  	_ =	shalt  }
0x76: {  	_ =	shalt  }
0x77: {  	_ =	shalt  }
0x78: {  	_ =	shalt  }
0x79: {  	_ =	shalt  }
0x7a: {  	_ =	shalt  }
0x7b: {  	_ =	shalt  }
0x7c: {  	_ =	shalt  }
0x7d: {  	_ =	shalt  }
0x7e: {  	_ =	shalt  }
0x7f: {  	_ =	shalt  }
0x80: {  	_ =	shalt  }
0x81: {  	_ =	shalt  }
0x82: {  	_ =	shalt  }
0x83: {  	_ =	shalt  }
0x84: {  	_ =	shalt  }
0x85: {  	_ =	shalt  }
0x86: {  	_ =	shalt  }
0x87: {  	_ =	shalt  }
.Lfunc_end0:
.L_simem_size_0:
called_computation.3_lowered:
.L_overlay_start_0:
0x88: {  	s2 =	sld [smem:$0x3FD9]  }
0x89: {  	s3 =	sld [smem:$0x3FFE];
	_ =	sdelay $0x1  }
0x8a: {  	s1 =	srdreg.scid  }
0x8b: {  	s0 =	sand.u32 $0x1, s1  }
0x8c: {  	s14 =	sshll.u32 s0, $0xA;
	s2 =	sadd.s32 s3, s2  }
0x8d: {  	s2 =	sadd.s32 s2, s14  }
0x8e: {  	[smem:$0x3FBC] =	sst s2  }
0x8f: {  	_ = 	snop  }
0x90: {  	s2 =	sld [smem:$0x3FD0];
	_ =	sdelay $0x2  }
0x91: {  	s15 =	simm.s32 $0xA;
	s4 =	simm.s32 $0x10  }
0x92: {  	[smem:s4], [sflag:s15] =	dma.local [hbm:s2], $0x1  }
0x93: {  	_ =	swait.eq [sflag:s15], $0x1  }
0x94: {  	[sflag:s15] =	ssyncset.done $0x0  }
0x95: {  	[sflag:s15] =	ssyncadd.s32 $0xFFFFFFFF  }
0x96: {  	s16 =	sld [smem:$0x10];
	(tm) =	ssettm $0x1  }
0x97: {  	s17 =	sld [smem:$0x3FFB];
	_ =	sdelay $0x3  }
0x98: {  	_ =	strace s17  }
0x99: {  	s3 =	sld [smem:$0x3FFC];
	_ =	sdelay $0x3  }
0x9a: {  	_ =	strace s3  }
0x9b: {  	s3 =	sld [smem:$0x3FFD];
	_ =	sdelay $0x3  }
0x9c: {  	_ =	strace s3  }
0x9d: {  	_ =	strace $0x8FFFFFFF  }
0x9e: {  	s18 =	sld [smem:$0x3FDB];
	_ =	sdelay $0x1  }
0x9f: {  	s19 =	simm.s32 $_scs_section_size  }
0xa0: {  	s5 =	simm.s32 $_size__tile_overlayer_lowered;
	s6 =	simm.s32 $_tile_overlayer_lowered  }
0xa1: {  	s22 =	simm.s32 $0x1BFF;
	s21 =	sshll.u32 s6, $0x1;
	s3 =	sadd.s32 s19, s18  }
0xa2: {  	s7 =	simm.s32 $0x0;
	s20 =	sshll.u32 s5, $0x1;
	s5 =	sadd.s32 s21, s3  }
0xa3: {  	[timem:s7], [sflag:s22] =	dma.local [hbm:s5], s20  }
0xa4: {  	_ =	swait.ge [sflag:s22], s20  }
0xa5: {  	s4 =	ssub.s32 $0x0, s20;
	[sflag:s22] =	ssyncset.done $0x0  }
0xa6: {  	[sflag:s22] =	ssyncadd.s32 s4;
	_ =	sdelay $0x1  }
0xa7: {  	s23 =	simm.s32 $0x1B8B  }
0xa8: {  	_ =	swait.ge [sflag:s23], $0x1  }
0xa9: {  	[sflag:s23] =	ssyncset.done $0x0  }
0xaa: {  	s25 =	simm.s32 $0x1B8E;
	s24 =	sld [smem:$0x3FFE];
	[sflag:s23] =	ssyncadd.s32 $0xFFFFFFFF  }
0xab: {  	s26 =	simm.s32 $execute0_lowered;
	[smem:$0x3FD2] =	sst s25  }
0xac: {  	s5 =	sshll.u32 s26, $0x1;
	_ =	strace $0x8000004F;
	[dreg:$0x1] =	wrdreg $0xFFFFFFFF  }
0xad: {  	s28 =	simm.s32 $_size_execute0_lowered;
	s3 =	sadd.s32 s3, s5;
	[dreg:$0x0] =	wrdreg $0x0  }
0xae: {  	s5 =	sshll.u32 s28, $0x1;
	[dreg:$0x2] =	wrdreg s3  }
0xaf: {  	[dreg:$0x3] =	wrdreg s5  }
0xb0: {  	[dreg:$0x4] =	wrdreg $0xC0  }
0xb1: {  	_ =	task [dreg:s7], $0x5FFFF  }
0xb2: {  	[dreg:$0x1] =	wrdreg $0xFFFFFFFF  }
0xb3: {  	[dreg:$0x0] =	wrdreg $0x60  }
0xb4: {  	[dreg:$0x2] =	wrdreg s24  }
0xb5: {  	[dreg:$0x3] =	wrdreg s16  }
0xb6: {  	[dreg:$0x4] =	wrdreg $0x9  }
0xb7: {  	_ =	task.clear_ibuf [dreg:s7], $0x5FFFF;
	_ =	strace $0x9000004F  }
0xb8: {  	s29 =	simm.s32 $0x9;
	_ =	strace $0x80000051  }
0xb9: {  	_ =	swait.ge [sflag:s29], $0x1  }
0xba: {  	[sflag:s29] =	ssyncadd.s32 $0xFFFFFFFF  }
0xbb: {  	_ =	strace $0x90000051  }
0xbc: {  	_ =	sfence  }
0xbd: {  	s30 =	sld [smem:$0x0];
	_ =	sdelay $0x2  }
0xbe: {  	s31 =	sshll.u32 s1, $0xD;
	s1 =	sshrl.u32 s1, $0x2  }
0xbf: {  	s3 =	sand.u32 $0x4000, s31;
	s1 =	sadd.s32 s1, s30  }
0xc0: {  	s0 =	sor.u32 s3, s0;
	s1 =	sshll.u32 s1, $0x11  }
0xc1: {  	s0 =	sor.u32 s1, s0  }
0xc2: {  	s0 =	sadd.s32 $0x8F2B, s0  }
0xc3: {  	[sflag:s0] =	ssyncadd.remote.s32 $0x1  }
0xc4: {  	_ =	sfence.sel $0xFFFF  }
0xc5: {  	[dreg:$0x0] =	wrdreg $0xFFFFFFFF;
	(pc) =	sbr.abs _section_cstart, $3  }
0xc6: {  	[dreg:$0x1] =	wrdreg $0xFFFFFFFF  }
0xc7: {  	_ =	task.clear_ibuf [dreg:s7], $0x2FFFF;
	_ =	strace $0x9FFFFFFF  }
0xc8: {  	(tm) =	ssettm $0x7FFFFFFF  }
0xc9: {  	_ =	shalt  }
tec
execute0_lowered:
.L_overlay_start_1:
0x0: {  	(tag) =	ssettag $0x1  }
0x1: {  	s0 =	rddreg [dreg:$0x0]  }
0x2: {  	s1 =	rddreg [dreg:$0x1]  }
0x3: {  	s3 =	srdreg.scid;
	s2 =	simm.s32 $0x0;
	s4 =	stileid.u32  }
0x4: {  	s29 =	simm.s32 $0x80;
	s30 =	simm.s32 $0x100;
	s31 =	simm.s32 $0x180  }
0x5: {  	s3 =	sand.u32 $0x1, s3;
	[smem:$0x7FF] =	sst s2;
	s4 =	sshll.u32 s4, $0x9  }
0x6: {  	s8 =	sadd.s32 $0x800, s0;
	_ =	strace $0x80000050;
	[dreg:$0xb] =	wrdreg s29  }
0x7: {  	s5 =	sshll.u32 s3, $0x8;
	s6 =	ssub.s32 $0x2, s3;
	[dreg:$0xc] =	wrdreg s30  }
0x8: {  	s3 =	sadd.s32 $0x100C00, s0;
	[dreg:$0xd] =	wrdreg s31;
	s7 =	sor.u32 s5, s4  }
0x9: {  	s18 =	sshrl.u32 s6, $0x1;
	s4 =	sadd.s32 $0x100D00, s0;
	s5 =	sshrl.u32 s7, $0x3  }
0xa: {  	s9 =	ssub.s32 s6, s18;
	s20 =	sshll.u32 s7, $0x7;
	s21 =	sor.u32 $0x40, s7  }
0xb: {  	s23 =	sor.u32 $0x80, s7;
	s7 =	sor.u32 $0xC0, s7;
	s18 =	simm.s32 $0x1  }
0xc: {  	s19 =	sadd.s32 s8, s5;
	s5 =	sadd.s32 s1, s20;
	s10 =	sshrl.u32 s21, $0x3  }
0xd: {  	s6 =	sshll.u32 s21, $0x7;
	s24 =	sshrl.u32 s23, $0x3;
	[dreg:$0x3] =	wrdreg s19  }
0xe: {  	s26 =	sshrl.u32 s7, $0x3;
	[dreg:$0x4] =	wrdreg s5;
	s22 =	sadd.s32 s8, s10  }
0xf: {  	s7 =	sshll.u32 s7, $0x7;
	s6 =	sadd.s32 s1, s6;
	[dreg:$0x5] =	wrdreg s22  }
0x10: {  	s5 =	sadd.s32 $0x100E00, s0;
	s28 =	sadd.s32 s1, s7;
	[dreg:$0x6] =	wrdreg s6  }
0x11: {  	s10 =	sshll.u32 s23, $0x7;
	s6 =	sadd.s32 s8, s24;
	[dreg:$0xa] =	wrdreg s28  }
0x12: {  	v2 =	vlaneseq.u32;
	s7 =	smax.u32 s9, $0x1;
	s25 =	sadd.s32 s1, s10;
	[dreg:$0x7] =	wrdreg s6  }
0x13: {  	vm0 =	vmmov $0xffff;
	v1 =	vshrl.u32 v2, $0x3;
	s8 =	sadd.s32 s8, s26;
	[dreg:$0x8] =	wrdreg s25;
	s6 =	sadd.s32 $0x100F00, s0  }
0x14: {  	v0 =	vand.u32 $0x7, v2;
	v2 =	vor.u32 $0x8, v2;
	v1 =	vmul.u32 $0x8, v1;
	[dreg:$0x9] =	wrdreg s8;
	s8 =	simm.s32 $0x2;
	s25 =	simm.s32 $0x200  }
.LBB2_1:
0x15: {  	s19 =	rddreg [dreg:$0x3]  }
0x16: {  	[tilespmem:s2], [sflag:$0x2] =	stream.linear.gather [hbm4b:s19+s2], $0x40, $0x38;
	[tilespmem:$0x10200] =	vst v63  }
0x17: {  	_ =	swait.ge [sflag:s8], $0x40  }
0x18: {  	[sflag:s8] =	ssyncset.done $0x0  }
0x19: {  	[sflag:s8] =	ssyncadd.s32 $0xFFFFFFC0  }
0x1a: {  	v3 =	vld [tilespmem:$0x0];
	_ =	sdelay $0x4  }
0x1b: {  	v4 =	vshll.u32 v3, $0x3  }
0x1c: {  	v3 =	vand.u32 $0x7, v3;
	v4 =	vand.u32 $0xFFFFFFC0, v4  }
0x1d: {  	v3 =	vor.u32 v3, v4  }
0x1e: {  	v4 =	vperm.xlane v3, v0;
	_ =	sdelay $0x1  }
0x1f: {  	v4 =	vadd.s32 v1, v4;
	_ =	sdelay $0x4  }
0x20: {  	[tilespmem:s25], [sflag:$0x1] =	stream.indirect_vreg.gather [hbm4b:s3+s2], $0x80, v4, vm0, $0xb8;
	[tilespmem:$0x10200] =	vst v63  }
0x21: {  	s0 =	simm.s32 $0xA00;
	v3 =	vperm.xlane v3, v2  }
0x22: {  	[tilespmem:s0], [sflag:$0x1] =	stream.indirect_vreg.gather [hbm4b:s4+s2], $0x80, v4, vm0, $0xb8;
	[tilespmem:$0x10200] =	vst v63  }
0x23: {  	s22 =	simm.s32 $0x1200;
	v3 =	vadd.s32 v1, v3  }
0x24: {  	[tilespmem:s22], [sflag:$0x1] =	stream.indirect_vreg.gather [hbm4b:s5+s2], $0x80, v4, vm0, $0xb8;
	[tilespmem:$0x10200] =	vst v63  }
0x25: {  	s23 =	simm.s32 $0x1A00  }
0x26: {  	[tilespmem:s23], [sflag:$0x1] =	stream.indirect_vreg.gather [hbm4b:s6+s2], $0x80, v4, vm0, $0xb8;
	[tilespmem:$0x10200] =	vst v63  }
0x27: {  	s24 =	simm.s32 $0x2200  }
0x28: {  	[tilespmem:s24], [sflag:$0x1] =	stream.indirect_vreg.gather [hbm4b:s3+s2], $0x80, v3, vm0, $0xb8;
	[tilespmem:$0x10200] =	vst v63  }
0x29: {  	s26 =	simm.s32 $0x2A00  }
0x2a: {  	[tilespmem:s26], [sflag:$0x1] =	stream.indirect_vreg.gather [hbm4b:s4+s2], $0x80, v3, vm0, $0xb8;
	[tilespmem:$0x10200] =	vst v63  }
0x2b: {  	s28 =	simm.s32 $0x3200  }
0x2c: {  	[tilespmem:s28], [sflag:$0x1] =	stream.indirect_vreg.gather [hbm4b:s5+s2], $0x80, v3, vm0, $0xb8;
	[tilespmem:$0x10200] =	vst v63  }
0x2d: {  	s29 =	simm.s32 $0x3A00  }
0x2e: {  	[tilespmem:s29], [sflag:$0x1] =	stream.indirect_vreg.gather [hbm4b:s6+s2], $0x80, v3, vm0, $0xb8;
	[tilespmem:$0x10200] =	vst v63  }
0x2f: {  	v3 =	vld [tilespmem:$0x10];
	_ =	sdelay $0x4  }
0x30: {  	v49 =	vshll.u32 v3, $0x3  }
0x31: {  	v3 =	vand.u32 $0x7, v3;
	v4 =	vand.u32 $0xFFFFFFC0, v49  }
0x32: {  	v3 =	vor.u32 v3, v4  }
0x33: {  	v4 =	vperm.xlane v3, v0;
	_ =	sdelay $0x1  }
0x34: {  	v4 =	vadd.s32 v1, v4;
	_ =	sdelay $0x3  }
0x35: {  	s30 =	simm.s32 $0x4200  }
0x36: {  	[tilespmem:s30], [sflag:$0x1] =	stream.indirect_vreg.gather [hbm4b:s3+s2], $0x80, v4, vm0, $0xb8;
	[tilespmem:$0x10200] =	vst v63  }
0x37: {  	s31 =	simm.s32 $0x4A00;
	v3 =	vperm.xlane v3, v2  }
0x38: {  	[tilespmem:s31], [sflag:$0x1] =	stream.indirect_vreg.gather [hbm4b:s4+s2], $0x80, v4, vm0, $0xb8;
	[tilespmem:$0x10200] =	vst v63  }
0x39: {  	s13 =	simm.s32 $0x5200;
	v3 =	vadd.s32 v1, v3  }
0x3a: {  	[tilespmem:s13], [sflag:$0x1] =	stream.indirect_vreg.gather [hbm4b:s5+s2], $0x80, v4, vm0, $0xb8;
	[tilespmem:$0x10200] =	vst v63  }
0x3b: {  	s16 =	simm.s32 $0x5A00  }
0x3c: {  	[tilespmem:s16], [sflag:$0x1] =	stream.indirect_vreg.gather [hbm4b:s6+s2], $0x80, v4, vm0, $0xb8;
	[tilespmem:$0x10200] =	vst v63  }
0x3d: {  	s17 =	simm.s32 $0x6200  }
0x3e: {  	[tilespmem:s17], [sflag:$0x1] =	stream.indirect_vreg.gather [hbm4b:s3+s2], $0x80, v3, vm0, $0xb8;
	[tilespmem:$0x10200] =	vst v63  }
0x3f: {  	s19 =	simm.s32 $0x6A00  }
0x40: {  	[tilespmem:s19], [sflag:$0x1] =	stream.indirect_vreg.gather [hbm4b:s4+s2], $0x80, v3, vm0, $0xb8;
	[tilespmem:$0x10200] =	vst v63  }
0x41: {  	s20 =	simm.s32 $0x7200  }
0x42: {  	[tilespmem:s20], [sflag:$0x1] =	stream.indirect_vreg.gather [hbm4b:s5+s2], $0x80, v3, vm0, $0xb8;
	[tilespmem:$0x10200] =	vst v63  }
0x43: {  	s21 =	simm.s32 $0x7A00  }
0x44: {  	[tilespmem:s21], [sflag:$0x1] =	stream.indirect_vreg.gather [hbm4b:s6+s2], $0x80, v3, vm0, $0xb8;
	[tilespmem:$0x10200] =	vst v63  }
0x45: {  	v3 =	vld [tilespmem:$0x20];
	_ =	sdelay $0x4  }
0x46: {  	v50 =	vshll.u32 v3, $0x3  }
0x47: {  	v3 =	vand.u32 $0x7, v3;
	v4 =	vand.u32 $0xFFFFFFC0, v50  }
0x48: {  	v3 =	vor.u32 v3, v4  }
0x49: {  	v4 =	vperm.xlane v3, v0;
	_ =	sdelay $0x1  }
0x4a: {  	v4 =	vadd.s32 v1, v4;
	_ =	sdelay $0x3  }
0x4b: {  	s22 =	simm.s32 $0x8200  }
0x4c: {  	[tilespmem:s22], [sflag:$0x1] =	stream.indirect_vreg.gather [hbm4b:s3+s2], $0x80, v4, vm0, $0xb8;
	[tilespmem:$0x10200] =	vst v63  }
0x4d: {  	s23 =	simm.s32 $0x8A00;
	v3 =	vperm.xlane v3, v2  }
0x4e: {  	[tilespmem:s23], [sflag:$0x1] =	stream.indirect_vreg.gather [hbm4b:s4+s2], $0x80, v4, vm0, $0xb8;
	[tilespmem:$0x10200] =	vst v63  }
0x4f: {  	s24 =	simm.s32 $0x9200;
	v3 =	vadd.s32 v1, v3  }
0x50: {  	[tilespmem:s24], [sflag:$0x1] =	stream.indirect_vreg.gather [hbm4b:s5+s2], $0x80, v4, vm0, $0xb8;
	[tilespmem:$0x10200] =	vst v63  }
0x51: {  	s26 =	simm.s32 $0x9A00  }
0x52: {  	[tilespmem:s26], [sflag:$0x1] =	stream.indirect_vreg.gather [hbm4b:s6+s2], $0x80, v4, vm0, $0xb8;
	[tilespmem:$0x10200] =	vst v63  }
0x53: {  	s28 =	simm.s32 $0xA200  }
0x54: {  	[tilespmem:s28], [sflag:$0x1] =	stream.indirect_vreg.gather [hbm4b:s3+s2], $0x80, v3, vm0, $0xb8;
	[tilespmem:$0x10200] =	vst v63  }
0x55: {  	s29 =	simm.s32 $0xAA00  }
0x56: {  	[tilespmem:s29], [sflag:$0x1] =	stream.indirect_vreg.gather [hbm4b:s4+s2], $0x80, v3, vm0, $0xb8;
	[tilespmem:$0x10200] =	vst v63  }
0x57: {  	s30 =	simm.s32 $0xB200  }
0x58: {  	[tilespmem:s30], [sflag:$0x1] =	stream.indirect_vreg.gather [hbm4b:s5+s2], $0x80, v3, vm0, $0xb8;
	[tilespmem:$0x10200] =	vst v63  }
0x59: {  	s31 =	simm.s32 $0xBA00  }
0x5a: {  	[tilespmem:s31], [sflag:$0x1] =	stream.indirect_vreg.gather [hbm4b:s6+s2], $0x80, v3, vm0, $0xb8;
	[tilespmem:$0x10200] =	vst v63  }
0x5b: {  	v3 =	vld [tilespmem:$0x30];
	_ =	sdelay $0x4  }
0x5c: {  	v51 =	vshll.u32 v3, $0x3  }
0x5d: {  	v3 =	vand.u32 $0x7, v3;
	v4 =	vand.u32 $0xFFFFFFC0, v51  }
0x5e: {  	v3 =	vor.u32 v3, v4  }
0x5f: {  	v4 =	vperm.xlane v3, v0;
	_ =	sdelay $0x1  }
0x60: {  	v4 =	vadd.s32 v1, v4;
	_ =	sdelay $0x3  }
0x61: {  	s0 =	simm.s32 $0xC200  }
0x62: {  	[tilespmem:s0], [sflag:$0x1] =	stream.indirect_vreg.gather [hbm4b:s3+s2], $0x80, v4, vm0, $0xb8;
	[tilespmem:$0x10200] =	vst v63  }
0x63: {  	s16 =	simm.s32 $0xCA00;
	v3 =	vperm.xlane v3, v2  }
0x64: {  	[tilespmem:s16], [sflag:$0x1] =	stream.indirect_vreg.gather [hbm4b:s4+s2], $0x80, v4, vm0, $0xb8;
	[tilespmem:$0x10200] =	vst v63  }
0x65: {  	s17 =	simm.s32 $0xD200;
	v3 =	vadd.s32 v1, v3  }
0x66: {  	[tilespmem:s17], [sflag:$0x1] =	stream.indirect_vreg.gather [hbm4b:s5+s2], $0x80, v4, vm0, $0xb8;
	[tilespmem:$0x10200] =	vst v63  }
0x67: {  	s20 =	simm.s32 $0xDA00  }
0x68: {  	[tilespmem:s20], [sflag:$0x1] =	stream.indirect_vreg.gather [hbm4b:s6+s2], $0x80, v4, vm0, $0xb8;
	[tilespmem:$0x10200] =	vst v63  }
0x69: {  	s24 =	simm.s32 $0xE200  }
0x6a: {  	[tilespmem:s24], [sflag:$0x1] =	stream.indirect_vreg.gather [hbm4b:s3+s2], $0x80, v3, vm0, $0xb8;
	[tilespmem:$0x10200] =	vst v63  }
0x6b: {  	s30 =	simm.s32 $0xEA00  }
0x6c: {  	[tilespmem:s30], [sflag:$0x1] =	stream.indirect_vreg.gather [hbm4b:s4+s2], $0x80, v3, vm0, $0xb8;
	[tilespmem:$0x10200] =	vst v63  }
0x6d: {  	s31 =	simm.s32 $0xF200  }
0x6e: {  	[tilespmem:s31], [sflag:$0x1] =	stream.indirect_vreg.gather [hbm4b:s5+s2], $0x80, v3, vm0, $0xb8;
	[tilespmem:$0x10200] =	vst v63  }
0x6f: {  	s0 =	simm.s32 $0xFA00  }
0x70: {  	[tilespmem:s0], [sflag:$0x1] =	stream.indirect_vreg.gather [hbm4b:s6+s2], $0x80, v3, vm0, $0xb8;
	[tilespmem:$0x10200] =	vst v63  }
0x71: {  	_ =	swait.ge [sflag:s18], $0x10000  }
0x72: {  	[sflag:s18] =	ssyncset.done $0x0  }
0x73: {  	s16 =	rddreg [dreg:$0x4];
	[sflag:s18] =	ssyncadd.s32 $0xFFFF0000  }
0x74: {  	[hbm4b:s16+s2] =	stream.linear.scatter [tilespmem:s25], [sflag:$0x2], $0x10000, $0x38;
	[tilespmem:$0x10200] =	vst v63  }
0x75: {  	_ =	swait.ge [sflag:s8], $0x10000  }
0x76: {  	s17 =	rddreg [dreg:$0x5];
	[sflag:s8] =	ssyncset.done $0x0  }
0x77: {  	s20 =	rddreg [dreg:$0xb];
	[sflag:s8] =	ssyncadd.s32 $0xFFFF0000  }
0x78: {  	[tilespmem:s20], [sflag:$0x2] =	stream.linear.gather [hbm4b:s17+s2], $0x40, $0x38;
	[tilespmem:$0x10200] =	vst v63  }
0x79: {  	_ =	swait.ge [sflag:s8], $0x40  }
0x7a: {  	[sflag:s8] =	ssyncset.done $0x0  }
0x7b: {  	[sflag:s8] =	ssyncadd.s32 $0xFFFFFFC0  }
0x7c: {  	v3 =	vld [tilespmem:$0x80];
	_ =	sdelay $0x4  }
0x7d: {  	v52 =	vshll.u32 v3, $0x3  }
0x7e: {  	v3 =	vand.u32 $0x7, v3;
	v4 =	vand.u32 $0xFFFFFFC0, v52  }
0x7f: {  	v3 =	vor.u32 v3, v4  }
0x80: {  	v4 =	vperm.xlane v3, v0;
	_ =	sdelay $0x1  }
0x81: {  	v4 =	vadd.s32 v1, v4;
	_ =	sdelay $0x4  }
0x82: {  	[tilespmem:s25], [sflag:$0x1] =	stream.indirect_vreg.gather [hbm4b:s3+s2], $0x80, v4, vm0, $0xb8;
	[tilespmem:$0x10200] =	vst v63  }
0x83: {  	s14 =	simm.s32 $0xA00;
	v3 =	vperm.xlane v3, v2  }
0x84: {  	[tilespmem:s14], [sflag:$0x1] =	stream.indirect_vreg.gather [hbm4b:s4+s2], $0x80, v4, vm0, $0xb8;
	[tilespmem:$0x10200] =	vst v63  }
0x85: {  	s1 =	simm.s32 $0x1200;
	v3 =	vadd.s32 v1, v3  }
0x86: {  	[tilespmem:s1], [sflag:$0x1] =	stream.indirect_vreg.gather [hbm4b:s5+s2], $0x80, v4, vm0, $0xb8;
	[tilespmem:$0x10200] =	vst v63  }
0x87: {  	s9 =	simm.s32 $0x1A00  }
0x88: {  	[tilespmem:s9], [sflag:$0x1] =	stream.indirect_vreg.gather [hbm4b:s6+s2], $0x80, v4, vm0, $0xb8;
	[tilespmem:$0x10200] =	vst v63  }
0x89: {  	s10 =	simm.s32 $0x2200  }
0x8a: {  	[tilespmem:s10], [sflag:$0x1] =	stream.indirect_vreg.gather [hbm4b:s3+s2], $0x80, v3, vm0, $0xb8;
	[tilespmem:$0x10200] =	vst v63  }
0x8b: {  	s11 =	simm.s32 $0x2A00  }
0x8c: {  	[tilespmem:s11], [sflag:$0x1] =	stream.indirect_vreg.gather [hbm4b:s4+s2], $0x80, v3, vm0, $0xb8;
	[tilespmem:$0x10200] =	vst v63  }
0x8d: {  	s12 =	simm.s32 $0x3200  }
0x8e: {  	[tilespmem:s12], [sflag:$0x1] =	stream.indirect_vreg.gather [hbm4b:s5+s2], $0x80, v3, vm0, $0xb8;
	[tilespmem:$0x10200] =	vst v63  }
0x8f: {  	s15 =	simm.s32 $0x3A00  }
0x90: {  	[tilespmem:s15], [sflag:$0x1] =	stream.indirect_vreg.gather [hbm4b:s6+s2], $0x80, v3, vm0, $0xb8;
	[tilespmem:$0x10200] =	vst v63  }
0x91: {  	v3 =	vld [tilespmem:$0x90];
	_ =	sdelay $0x4  }
0x92: {  	v53 =	vshll.u32 v3, $0x3  }
0x93: {  	v3 =	vand.u32 $0x7, v3;
	v4 =	vand.u32 $0xFFFFFFC0, v53  }
0x94: {  	v3 =	vor.u32 v3, v4  }
0x95: {  	v4 =	vperm.xlane v3, v0;
	_ =	sdelay $0x1  }
0x96: {  	v4 =	vadd.s32 v1, v4;
	_ =	sdelay $0x3  }
0x97: {  	s16 =	simm.s32 $0x4200  }
0x98: {  	[tilespmem:s16], [sflag:$0x1] =	stream.indirect_vreg.gather [hbm4b:s3+s2], $0x80, v4, vm0, $0xb8;
	[tilespmem:$0x10200] =	vst v63  }
0x99: {  	s17 =	simm.s32 $0x4A00;
	v3 =	vperm.xlane v3, v2  }
0x9a: {  	[tilespmem:s17], [sflag:$0x1] =	stream.indirect_vreg.gather [hbm4b:s4+s2], $0x80, v4, vm0, $0xb8;
	[tilespmem:$0x10200] =	vst v63  }
0x9b: {  	s13 =	simm.s32 $0x5200;
	v3 =	vadd.s32 v1, v3  }
0x9c: {  	[tilespmem:s13], [sflag:$0x1] =	stream.indirect_vreg.gather [hbm4b:s5+s2], $0x80, v4, vm0, $0xb8;
	[tilespmem:$0x10200] =	vst v63  }
0x9d: {  	s0 =	simm.s32 $0x5A00  }
0x9e: {  	[tilespmem:s0], [sflag:$0x1] =	stream.indirect_vreg.gather [hbm4b:s6+s2], $0x80, v4, vm0, $0xb8;
	[tilespmem:$0x10200] =	vst v63  }
0x9f: {  	s1 =	simm.s32 $0x6200  }
0xa0: {  	[tilespmem:s1], [sflag:$0x1] =	stream.indirect_vreg.gather [hbm4b:s3+s2], $0x80, v3, vm0, $0xb8;
	[tilespmem:$0x10200] =	vst v63  }
0xa1: {  	s9 =	simm.s32 $0x6A00  }
0xa2: {  	[tilespmem:s9], [sflag:$0x1] =	stream.indirect_vreg.gather [hbm4b:s4+s2], $0x80, v3, vm0, $0xb8;
	[tilespmem:$0x10200] =	vst v63  }
0xa3: {  	s10 =	simm.s32 $0x7200  }
0xa4: {  	[tilespmem:s10], [sflag:$0x1] =	stream.indirect_vreg.gather [hbm4b:s5+s2], $0x80, v3, vm0, $0xb8;
	[tilespmem:$0x10200] =	vst v63  }
0xa5: {  	s13 =	simm.s32 $0x7A00  }
0xa6: {  	[tilespmem:s13], [sflag:$0x1] =	stream.indirect_vreg.gather [hbm4b:s6+s2], $0x80, v3, vm0, $0xb8;
	[tilespmem:$0x10200] =	vst v63  }
0xa7: {  	v3 =	vld [tilespmem:$0xA0];
	_ =	sdelay $0x4  }
0xa8: {  	v54 =	vshll.u32 v3, $0x3  }
0xa9: {  	v3 =	vand.u32 $0x7, v3;
	v4 =	vand.u32 $0xFFFFFFC0, v54  }
0xaa: {  	v3 =	vor.u32 v3, v4  }
0xab: {  	v4 =	vperm.xlane v3, v0;
	_ =	sdelay $0x1  }
0xac: {  	v4 =	vadd.s32 v1, v4;
	_ =	sdelay $0x3  }
0xad: {  	s14 =	simm.s32 $0x8200  }
0xae: {  	[tilespmem:s14], [sflag:$0x1] =	stream.indirect_vreg.gather [hbm4b:s3+s2], $0x80, v4, vm0, $0xb8;
	[tilespmem:$0x10200] =	vst v63  }
0xaf: {  	s15 =	simm.s32 $0x8A00;
	v3 =	vperm.xlane v3, v2  }
0xb0: {  	[tilespmem:s15], [sflag:$0x1] =	stream.indirect_vreg.gather [hbm4b:s4+s2], $0x80, v4, vm0, $0xb8;
	[tilespmem:$0x10200] =	vst v63  }
0xb1: {  	s11 =	simm.s32 $0x9200;
	v3 =	vadd.s32 v1, v3  }
0xb2: {  	[tilespmem:s11], [sflag:$0x1] =	stream.indirect_vreg.gather [hbm4b:s5+s2], $0x80, v4, vm0, $0xb8;
	[tilespmem:$0x10200] =	vst v63  }
0xb3: {  	s12 =	simm.s32 $0x9A00  }
0xb4: {  	[tilespmem:s12], [sflag:$0x1] =	stream.indirect_vreg.gather [hbm4b:s6+s2], $0x80, v4, vm0, $0xb8;
	[tilespmem:$0x10200] =	vst v63  }
0xb5: {  	s26 =	simm.s32 $0xA200  }
0xb6: {  	[tilespmem:s26], [sflag:$0x1] =	stream.indirect_vreg.gather [hbm4b:s3+s2], $0x80, v3, vm0, $0xb8;
	[tilespmem:$0x10200] =	vst v63  }
0xb7: {  	s28 =	simm.s32 $0xAA00  }
0xb8: {  	[tilespmem:s28], [sflag:$0x1] =	stream.indirect_vreg.gather [hbm4b:s4+s2], $0x80, v3, vm0, $0xb8;
	[tilespmem:$0x10200] =	vst v63  }
0xb9: {  	s29 =	simm.s32 $0xB200  }
0xba: {  	[tilespmem:s29], [sflag:$0x1] =	stream.indirect_vreg.gather [hbm4b:s5+s2], $0x80, v3, vm0, $0xb8;
	[tilespmem:$0x10200] =	vst v63  }
0xbb: {  	s21 =	simm.s32 $0xBA00  }
0xbc: {  	[tilespmem:s21], [sflag:$0x1] =	stream.indirect_vreg.gather [hbm4b:s6+s2], $0x80, v3, vm0, $0xb8;
	[tilespmem:$0x10200] =	vst v63  }
0xbd: {  	v3 =	vld [tilespmem:$0xB0];
	_ =	sdelay $0x4  }
0xbe: {  	v55 =	vshll.u32 v3, $0x3  }
0xbf: {  	v3 =	vand.u32 $0x7, v3;
	v4 =	vand.u32 $0xFFFFFFC0, v55  }
0xc0: {  	v3 =	vor.u32 v3, v4  }
0xc1: {  	v4 =	vperm.xlane v3, v0;
	_ =	sdelay $0x1  }
0xc2: {  	v4 =	vadd.s32 v1, v4;
	_ =	sdelay $0x3  }
0xc3: {  	s22 =	simm.s32 $0xC200  }
0xc4: {  	[tilespmem:s22], [sflag:$0x1] =	stream.indirect_vreg.gather [hbm4b:s3+s2], $0x80, v4, vm0, $0xb8;
	[tilespmem:$0x10200] =	vst v63  }
0xc5: {  	s23 =	simm.s32 $0xCA00;
	v3 =	vperm.xlane v3, v2  }
0xc6: {  	[tilespmem:s23], [sflag:$0x1] =	stream.indirect_vreg.gather [hbm4b:s4+s2], $0x80, v4, vm0, $0xb8;
	[tilespmem:$0x10200] =	vst v63  }
0xc7: {  	s21 =	simm.s32 $0xD200;
	v3 =	vadd.s32 v1, v3  }
0xc8: {  	[tilespmem:s21], [sflag:$0x1] =	stream.indirect_vreg.gather [hbm4b:s5+s2], $0x80, v4, vm0, $0xb8;
	[tilespmem:$0x10200] =	vst v63  }
0xc9: {  	s22 =	simm.s32 $0xDA00  }
0xca: {  	[tilespmem:s22], [sflag:$0x1] =	stream.indirect_vreg.gather [hbm4b:s6+s2], $0x80, v4, vm0, $0xb8;
	[tilespmem:$0x10200] =	vst v63  }
0xcb: {  	s23 =	simm.s32 $0xE200  }
0xcc: {  	[tilespmem:s23], [sflag:$0x1] =	stream.indirect_vreg.gather [hbm4b:s3+s2], $0x80, v3, vm0, $0xb8;
	[tilespmem:$0x10200] =	vst v63  }
0xcd: {  	s29 =	simm.s32 $0xEA00  }
0xce: {  	[tilespmem:s29], [sflag:$0x1] =	stream.indirect_vreg.gather [hbm4b:s4+s2], $0x80, v3, vm0, $0xb8;
	[tilespmem:$0x10200] =	vst v63  }
0xcf: {  	s20 =	simm.s32 $0xF200  }
0xd0: {  	[tilespmem:s20], [sflag:$0x1] =	stream.indirect_vreg.gather [hbm4b:s5+s2], $0x80, v3, vm0, $0xb8;
	[tilespmem:$0x10200] =	vst v63  }
0xd1: {  	s24 =	simm.s32 $0xFA00  }
0xd2: {  	[tilespmem:s24], [sflag:$0x1] =	stream.indirect_vreg.gather [hbm4b:s6+s2], $0x80, v3, vm0, $0xb8;
	[tilespmem:$0x10200] =	vst v63  }
0xd3: {  	_ =	swait.ge [sflag:s18], $0x10000  }
0xd4: {  	[sflag:s18] =	ssyncset.done $0x0  }
0xd5: {  	s24 =	rddreg [dreg:$0x6];
	[sflag:s18] =	ssyncadd.s32 $0xFFFF0000  }
0xd6: {  	[hbm4b:s24+s2] =	stream.linear.scatter [tilespmem:s25], [sflag:$0x2], $0x10000, $0x38;
	[tilespmem:$0x10200] =	vst v63  }
0xd7: {  	_ =	swait.ge [sflag:s8], $0x10000  }
0xd8: {  	s20 =	rddreg [dreg:$0x7];
	[sflag:s8] =	ssyncset.done $0x0  }
0xd9: {  	s24 =	rddreg [dreg:$0xc];
	[sflag:s8] =	ssyncadd.s32 $0xFFFF0000  }
0xda: {  	[tilespmem:s24], [sflag:$0x2] =	stream.linear.gather [hbm4b:s20+s2], $0x40, $0x38;
	[tilespmem:$0x10200] =	vst v63  }
0xdb: {  	_ =	swait.ge [sflag:s8], $0x40  }
0xdc: {  	[sflag:s8] =	ssyncset.done $0x0  }
0xdd: {  	[sflag:s8] =	ssyncadd.s32 $0xFFFFFFC0  }
0xde: {  	v3 =	vld [tilespmem:$0x100];
	_ =	sdelay $0x4  }
0xdf: {  	v56 =	vshll.u32 v3, $0x3  }
0xe0: {  	v3 =	vand.u32 $0x7, v3;
	v4 =	vand.u32 $0xFFFFFFC0, v56  }
0xe1: {  	v3 =	vor.u32 v3, v4  }
0xe2: {  	v4 =	vperm.xlane v3, v0;
	_ =	sdelay $0x1  }
0xe3: {  	v4 =	vadd.s32 v1, v4;
	_ =	sdelay $0x4  }
0xe4: {  	[tilespmem:s25], [sflag:$0x1] =	stream.indirect_vreg.gather [hbm4b:s3+s2], $0x80, v4, vm0, $0xb8;
	[tilespmem:$0x10200] =	vst v63  }
0xe5: {  	s24 =	simm.s32 $0xA00;
	v3 =	vperm.xlane v3, v2  }
0xe6: {  	[tilespmem:s24], [sflag:$0x1] =	stream.indirect_vreg.gather [hbm4b:s4+s2], $0x80, v4, vm0, $0xb8;
	[tilespmem:$0x10200] =	vst v63  }
0xe7: {  	s31 =	simm.s32 $0x1200;
	v3 =	vadd.s32 v1, v3  }
0xe8: {  	[tilespmem:s31], [sflag:$0x1] =	stream.indirect_vreg.gather [hbm4b:s5+s2], $0x80, v4, vm0, $0xb8;
	[tilespmem:$0x10200] =	vst v63  }
0xe9: {  	s20 =	simm.s32 $0x1A00  }
0xea: {  	[tilespmem:s20], [sflag:$0x1] =	stream.indirect_vreg.gather [hbm4b:s6+s2], $0x80, v4, vm0, $0xb8;
	[tilespmem:$0x10200] =	vst v63  }
0xeb: {  	s24 =	simm.s32 $0x2200  }
0xec: {  	[tilespmem:s24], [sflag:$0x1] =	stream.indirect_vreg.gather [hbm4b:s3+s2], $0x80, v3, vm0, $0xb8;
	[tilespmem:$0x10200] =	vst v63  }
0xed: {  	s31 =	simm.s32 $0x2A00  }
0xee: {  	[tilespmem:s31], [sflag:$0x1] =	stream.indirect_vreg.gather [hbm4b:s4+s2], $0x80, v3, vm0, $0xb8;
	[tilespmem:$0x10200] =	vst v63  }
0xef: {  	s20 =	simm.s32 $0x3200  }
0xf0: {  	[tilespmem:s20], [sflag:$0x1] =	stream.indirect_vreg.gather [hbm4b:s5+s2], $0x80, v3, vm0, $0xb8;
	[tilespmem:$0x10200] =	vst v63  }
0xf1: {  	s24 =	simm.s32 $0x3A00  }
0xf2: {  	[tilespmem:s24], [sflag:$0x1] =	stream.indirect_vreg.gather [hbm4b:s6+s2], $0x80, v3, vm0, $0xb8;
	[tilespmem:$0x10200] =	vst v63  }
0xf3: {  	v3 =	vld [tilespmem:$0x110];
	_ =	sdelay $0x4  }
0xf4: {  	v57 =	vshll.u32 v3, $0x3  }
0xf5: {  	v3 =	vand.u32 $0x7, v3;
	v4 =	vand.u32 $0xFFFFFFC0, v57  }
0xf6: {  	v3 =	vor.u32 v3, v4  }
0xf7: {  	v4 =	vperm.xlane v3, v0;
	_ =	sdelay $0x1  }
0xf8: {  	v4 =	vadd.s32 v1, v4;
	_ =	sdelay $0x4  }
0xf9: {  	[tilespmem:s16], [sflag:$0x1] =	stream.indirect_vreg.gather [hbm4b:s3+s2], $0x80, v4, vm0, $0xb8;
	[tilespmem:$0x10200] =	vst v63  }
0xfa: {  	v3 =	vperm.xlane v3, v2  }
0xfb: {  	[tilespmem:s17], [sflag:$0x1] =	stream.indirect_vreg.gather [hbm4b:s4+s2], $0x80, v4, vm0, $0xb8;
	[tilespmem:$0x10200] =	vst v63  }
0xfc: {  	s31 =	simm.s32 $0x5200;
	v3 =	vadd.s32 v1, v3  }
0xfd: {  	[tilespmem:s31], [sflag:$0x1] =	stream.indirect_vreg.gather [hbm4b:s5+s2], $0x80, v4, vm0, $0xb8;
	[tilespmem:$0x10200] =	vst v63  }
0xfe: {  	_ = 	snop  }
0xff: {  	[tilespmem:s0], [sflag:$0x1] =	stream.indirect_vreg.gather [hbm4b:s6+s2], $0x80, v4, vm0, $0xb8;
	[tilespmem:$0x10200] =	vst v63  }
0x100: {  	_ = 	snop  }
0x101: {  	[tilespmem:s1], [sflag:$0x1] =	stream.indirect_vreg.gather [hbm4b:s3+s2], $0x80, v3, vm0, $0xb8;
	[tilespmem:$0x10200] =	vst v63  }
0x102: {  	_ = 	snop  }
0x103: {  	[tilespmem:s9], [sflag:$0x1] =	stream.indirect_vreg.gather [hbm4b:s4+s2], $0x80, v3, vm0, $0xb8;
	[tilespmem:$0x10200] =	vst v63  }
0x104: {  	_ = 	snop  }
0x105: {  	[tilespmem:s10], [sflag:$0x1] =	stream.indirect_vreg.gather [hbm4b:s5+s2], $0x80, v3, vm0, $0xb8;
	[tilespmem:$0x10200] =	vst v63  }
0x106: {  	_ = 	snop  }
0x107: {  	[tilespmem:s13], [sflag:$0x1] =	stream.indirect_vreg.gather [hbm4b:s6+s2], $0x80, v3, vm0, $0xb8;
	[tilespmem:$0x10200] =	vst v63  }
0x108: {  	v3 =	vld [tilespmem:$0x120];
	_ =	sdelay $0x4  }
0x109: {  	v58 =	vshll.u32 v3, $0x3  }
0x10a: {  	v3 =	vand.u32 $0x7, v3;
	v4 =	vand.u32 $0xFFFFFFC0, v58  }
0x10b: {  	v3 =	vor.u32 v3, v4  }
0x10c: {  	v4 =	vperm.xlane v3, v0;
	_ =	sdelay $0x1  }
0x10d: {  	v4 =	vadd.s32 v1, v4;
	_ =	sdelay $0x4  }
0x10e: {  	[tilespmem:s14], [sflag:$0x1] =	stream.indirect_vreg.gather [hbm4b:s3+s2], $0x80, v4, vm0, $0xb8;
	[tilespmem:$0x10200] =	vst v63  }
0x10f: {  	v3 =	vperm.xlane v3, v2  }
0x110: {  	[tilespmem:s15], [sflag:$0x1] =	stream.indirect_vreg.gather [hbm4b:s4+s2], $0x80, v4, vm0, $0xb8;
	[tilespmem:$0x10200] =	vst v63  }
0x111: {  	v3 =	vadd.s32 v1, v3  }
0x112: {  	[tilespmem:s11], [sflag:$0x1] =	stream.indirect_vreg.gather [hbm4b:s5+s2], $0x80, v4, vm0, $0xb8;
	[tilespmem:$0x10200] =	vst v63  }
0x113: {  	_ = 	snop  }
0x114: {  	[tilespmem:s12], [sflag:$0x1] =	stream.indirect_vreg.gather [hbm4b:s6+s2], $0x80, v4, vm0, $0xb8;
	[tilespmem:$0x10200] =	vst v63  }
0x115: {  	s30 =	simm.s32 $0xA200  }
0x116: {  	[tilespmem:s30], [sflag:$0x1] =	stream.indirect_vreg.gather [hbm4b:s3+s2], $0x80, v3, vm0, $0xb8;
	[tilespmem:$0x10200] =	vst v63  }
0x117: {  	s26 =	simm.s32 $0xAA00  }
0x118: {  	[tilespmem:s26], [sflag:$0x1] =	stream.indirect_vreg.gather [hbm4b:s4+s2], $0x80, v3, vm0, $0xb8;
	[tilespmem:$0x10200] =	vst v63  }
0x119: {  	s28 =	simm.s32 $0xB200  }
0x11a: {  	[tilespmem:s28], [sflag:$0x1] =	stream.indirect_vreg.gather [hbm4b:s5+s2], $0x80, v3, vm0, $0xb8;
	[tilespmem:$0x10200] =	vst v63  }
0x11b: {  	s20 =	simm.s32 $0xBA00  }
0x11c: {  	[tilespmem:s20], [sflag:$0x1] =	stream.indirect_vreg.gather [hbm4b:s6+s2], $0x80, v3, vm0, $0xb8;
	[tilespmem:$0x10200] =	vst v63  }
0x11d: {  	v3 =	vld [tilespmem:$0x130];
	_ =	sdelay $0x4  }
0x11e: {  	v59 =	vshll.u32 v3, $0x3  }
0x11f: {  	v3 =	vand.u32 $0x7, v3;
	v4 =	vand.u32 $0xFFFFFFC0, v59  }
0x120: {  	v3 =	vor.u32 v3, v4  }
0x121: {  	v4 =	vperm.xlane v3, v0;
	_ =	sdelay $0x1  }
0x122: {  	v4 =	vadd.s32 v1, v4;
	_ =	sdelay $0x3  }
0x123: {  	s28 =	simm.s32 $0xC200  }
0x124: {  	[tilespmem:s28], [sflag:$0x1] =	stream.indirect_vreg.gather [hbm4b:s3+s2], $0x80, v4, vm0, $0xb8;
	[tilespmem:$0x10200] =	vst v63  }
0x125: {  	s20 =	simm.s32 $0xCA00;
	v3 =	vperm.xlane v3, v2  }
0x126: {  	[tilespmem:s20], [sflag:$0x1] =	stream.indirect_vreg.gather [hbm4b:s4+s2], $0x80, v4, vm0, $0xb8;
	[tilespmem:$0x10200] =	vst v63  }
0x127: {  	v3 =	vadd.s32 v1, v3;
	s28 =	simm.s32 $0xD200  }
0x128: {  	[tilespmem:s28], [sflag:$0x1] =	stream.indirect_vreg.gather [hbm4b:s5+s2], $0x80, v4, vm0, $0xb8;
	[tilespmem:$0x10200] =	vst v63  }
0x129: {  	s21 =	simm.s32 $0xDA00  }
0x12a: {  	[tilespmem:s21], [sflag:$0x1] =	stream.indirect_vreg.gather [hbm4b:s6+s2], $0x80, v4, vm0, $0xb8;
	[tilespmem:$0x10200] =	vst v63  }
0x12b: {  	s22 =	simm.s32 $0xE200  }
0x12c: {  	[tilespmem:s22], [sflag:$0x1] =	stream.indirect_vreg.gather [hbm4b:s3+s2], $0x80, v3, vm0, $0xb8;
	[tilespmem:$0x10200] =	vst v63  }
0x12d: {  	s23 =	simm.s32 $0xEA00  }
0x12e: {  	[tilespmem:s23], [sflag:$0x1] =	stream.indirect_vreg.gather [hbm4b:s4+s2], $0x80, v3, vm0, $0xb8;
	[tilespmem:$0x10200] =	vst v63  }
0x12f: {  	s29 =	simm.s32 $0xF200  }
0x130: {  	[tilespmem:s29], [sflag:$0x1] =	stream.indirect_vreg.gather [hbm4b:s5+s2], $0x80, v3, vm0, $0xb8;
	[tilespmem:$0x10200] =	vst v63  }
0x131: {  	s29 =	simm.s32 $0xFA00  }
0x132: {  	[tilespmem:s29], [sflag:$0x1] =	stream.indirect_vreg.gather [hbm4b:s6+s2], $0x80, v3, vm0, $0xb8;
	[tilespmem:$0x10200] =	vst v63  }
0x133: {  	_ =	swait.ge [sflag:s18], $0x10000  }
0x134: {  	[sflag:s18] =	ssyncset.done $0x0  }
0x135: {  	s20 =	rddreg [dreg:$0x8];
	[sflag:s18] =	ssyncadd.s32 $0xFFFF0000  }
0x136: {  	[hbm4b:s20+s2] =	stream.linear.scatter [tilespmem:s25], [sflag:$0x2], $0x10000, $0x38;
	[tilespmem:$0x10200] =	vst v63  }
0x137: {  	_ =	swait.ge [sflag:s8], $0x10000  }
0x138: {  	s19 =	rddreg [dreg:$0x9];
	[sflag:s8] =	ssyncset.done $0x0  }
0x139: {  	s20 =	rddreg [dreg:$0xd];
	[sflag:s8] =	ssyncadd.s32 $0xFFFF0000  }
0x13a: {  	[tilespmem:s20], [sflag:$0x2] =	stream.linear.gather [hbm4b:s19+s2], $0x40, $0x38;
	[tilespmem:$0x10200] =	vst v63  }
0x13b: {  	_ =	swait.ge [sflag:s8], $0x40  }
0x13c: {  	[sflag:s8] =	ssyncset.done $0x0  }
0x13d: {  	[sflag:s8] =	ssyncadd.s32 $0xFFFFFFC0  }
0x13e: {  	v3 =	vld [tilespmem:$0x180];
	_ =	sdelay $0x4  }
0x13f: {  	v60 =	vshll.u32 v3, $0x3  }
0x140: {  	v3 =	vand.u32 $0x7, v3;
	v4 =	vand.u32 $0xFFFFFFC0, v60  }
0x141: {  	v3 =	vor.u32 v3, v4  }
0x142: {  	v4 =	vperm.xlane v3, v0;
	_ =	sdelay $0x1  }
0x143: {  	v4 =	vadd.s32 v1, v4;
	_ =	sdelay $0x4  }
0x144: {  	[tilespmem:s25], [sflag:$0x1] =	stream.indirect_vreg.gather [hbm4b:s3+s2], $0x80, v4, vm0, $0xb8;
	[tilespmem:$0x10200] =	vst v63  }
0x145: {  	s20 =	simm.s32 $0xA00;
	v3 =	vperm.xlane v3, v2  }
0x146: {  	[tilespmem:s20], [sflag:$0x1] =	stream.indirect_vreg.gather [hbm4b:s4+s2], $0x80, v4, vm0, $0xb8;
	[tilespmem:$0x10200] =	vst v63  }
0x147: {  	v3 =	vadd.s32 v1, v3;
	s20 =	simm.s32 $0x1200  }
0x148: {  	[tilespmem:s20], [sflag:$0x1] =	stream.indirect_vreg.gather [hbm4b:s5+s2], $0x80, v4, vm0, $0xb8;
	[tilespmem:$0x10200] =	vst v63  }
0x149: {  	s20 =	simm.s32 $0x1A00  }
0x14a: {  	[tilespmem:s20], [sflag:$0x1] =	stream.indirect_vreg.gather [hbm4b:s6+s2], $0x80, v4, vm0, $0xb8;
	[tilespmem:$0x10200] =	vst v63  }
0x14b: {  	s20 =	simm.s32 $0x2200  }
0x14c: {  	[tilespmem:s20], [sflag:$0x1] =	stream.indirect_vreg.gather [hbm4b:s3+s2], $0x80, v3, vm0, $0xb8;
	[tilespmem:$0x10200] =	vst v63  }
0x14d: {  	s20 =	simm.s32 $0x2A00  }
0x14e: {  	[tilespmem:s20], [sflag:$0x1] =	stream.indirect_vreg.gather [hbm4b:s4+s2], $0x80, v3, vm0, $0xb8;
	[tilespmem:$0x10200] =	vst v63  }
0x14f: {  	s20 =	simm.s32 $0x3200  }
0x150: {  	[tilespmem:s20], [sflag:$0x1] =	stream.indirect_vreg.gather [hbm4b:s5+s2], $0x80, v3, vm0, $0xb8;
	[tilespmem:$0x10200] =	vst v63  }
0x151: {  	s20 =	simm.s32 $0x3A00  }
0x152: {  	[tilespmem:s20], [sflag:$0x1] =	stream.indirect_vreg.gather [hbm4b:s6+s2], $0x80, v3, vm0, $0xb8;
	[tilespmem:$0x10200] =	vst v63  }
0x153: {  	v3 =	vld [tilespmem:$0x190];
	_ =	sdelay $0x4  }
0x154: {  	v61 =	vshll.u32 v3, $0x3  }
0x155: {  	v3 =	vand.u32 $0x7, v3;
	v4 =	vand.u32 $0xFFFFFFC0, v61  }
0x156: {  	v3 =	vor.u32 v3, v4  }
0x157: {  	v4 =	vperm.xlane v3, v0;
	_ =	sdelay $0x1  }
0x158: {  	v4 =	vadd.s32 v1, v4;
	_ =	sdelay $0x3  }
0x159: {  	s16 =	simm.s32 $0x4200  }
0x15a: {  	[tilespmem:s16], [sflag:$0x1] =	stream.indirect_vreg.gather [hbm4b:s3+s2], $0x80, v4, vm0, $0xb8;
	[tilespmem:$0x10200] =	vst v63  }
0x15b: {  	s17 =	simm.s32 $0x4A00;
	v3 =	vperm.xlane v3, v2  }
0x15c: {  	[tilespmem:s17], [sflag:$0x1] =	stream.indirect_vreg.gather [hbm4b:s4+s2], $0x80, v4, vm0, $0xb8;
	[tilespmem:$0x10200] =	vst v63  }
0x15d: {  	s24 =	simm.s32 $0x5200;
	v3 =	vadd.s32 v1, v3  }
0x15e: {  	[tilespmem:s24], [sflag:$0x1] =	stream.indirect_vreg.gather [hbm4b:s5+s2], $0x80, v4, vm0, $0xb8;
	[tilespmem:$0x10200] =	vst v63  }
0x15f: {  	s0 =	simm.s32 $0x5A00  }
0x160: {  	[tilespmem:s0], [sflag:$0x1] =	stream.indirect_vreg.gather [hbm4b:s6+s2], $0x80, v4, vm0, $0xb8;
	[tilespmem:$0x10200] =	vst v63  }
0x161: {  	s1 =	simm.s32 $0x6200  }
0x162: {  	[tilespmem:s1], [sflag:$0x1] =	stream.indirect_vreg.gather [hbm4b:s3+s2], $0x80, v3, vm0, $0xb8;
	[tilespmem:$0x10200] =	vst v63  }
0x163: {  	s9 =	simm.s32 $0x6A00  }
0x164: {  	[tilespmem:s9], [sflag:$0x1] =	stream.indirect_vreg.gather [hbm4b:s4+s2], $0x80, v3, vm0, $0xb8;
	[tilespmem:$0x10200] =	vst v63  }
0x165: {  	s10 =	simm.s32 $0x7200  }
0x166: {  	[tilespmem:s10], [sflag:$0x1] =	stream.indirect_vreg.gather [hbm4b:s5+s2], $0x80, v3, vm0, $0xb8;
	[tilespmem:$0x10200] =	vst v63  }
0x167: {  	s13 =	simm.s32 $0x7A00  }
0x168: {  	[tilespmem:s13], [sflag:$0x1] =	stream.indirect_vreg.gather [hbm4b:s6+s2], $0x80, v3, vm0, $0xb8;
	[tilespmem:$0x10200] =	vst v63  }
0x169: {  	v3 =	vld [tilespmem:$0x1A0];
	_ =	sdelay $0x4  }
0x16a: {  	v62 =	vshll.u32 v3, $0x3  }
0x16b: {  	v3 =	vand.u32 $0x7, v3;
	v4 =	vand.u32 $0xFFFFFFC0, v62  }
0x16c: {  	v3 =	vor.u32 v3, v4  }
0x16d: {  	v4 =	vperm.xlane v3, v0;
	_ =	sdelay $0x1  }
0x16e: {  	v4 =	vadd.s32 v1, v4;
	_ =	sdelay $0x3  }
0x16f: {  	s14 =	simm.s32 $0x8200  }
0x170: {  	[tilespmem:s14], [sflag:$0x1] =	stream.indirect_vreg.gather [hbm4b:s3+s2], $0x80, v4, vm0, $0xb8;
	[tilespmem:$0x10200] =	vst v63  }
0x171: {  	s15 =	simm.s32 $0x8A00;
	v3 =	vperm.xlane v3, v2  }
0x172: {  	[tilespmem:s15], [sflag:$0x1] =	stream.indirect_vreg.gather [hbm4b:s4+s2], $0x80, v4, vm0, $0xb8;
	[tilespmem:$0x10200] =	vst v63  }
0x173: {  	s11 =	simm.s32 $0x9200;
	v3 =	vadd.s32 v1, v3  }
0x174: {  	[tilespmem:s11], [sflag:$0x1] =	stream.indirect_vreg.gather [hbm4b:s5+s2], $0x80, v4, vm0, $0xb8;
	[tilespmem:$0x10200] =	vst v63  }
0x175: {  	s12 =	simm.s32 $0x9A00  }
0x176: {  	[tilespmem:s12], [sflag:$0x1] =	stream.indirect_vreg.gather [hbm4b:s6+s2], $0x80, v4, vm0, $0xb8;
	[tilespmem:$0x10200] =	vst v63  }
0x177: {  	s30 =	simm.s32 $0xA200  }
0x178: {  	[tilespmem:s30], [sflag:$0x1] =	stream.indirect_vreg.gather [hbm4b:s3+s2], $0x80, v3, vm0, $0xb8;
	[tilespmem:$0x10200] =	vst v63  }
0x179: {  	s31 =	simm.s32 $0xAA00  }
0x17a: {  	[tilespmem:s31], [sflag:$0x1] =	stream.indirect_vreg.gather [hbm4b:s4+s2], $0x80, v3, vm0, $0xb8;
	[tilespmem:$0x10200] =	vst v63  }
0x17b: {  	s26 =	simm.s32 $0xB200  }
0x17c: {  	[tilespmem:s26], [sflag:$0x1] =	stream.indirect_vreg.gather [hbm4b:s5+s2], $0x80, v3, vm0, $0xb8;
	[tilespmem:$0x10200] =	vst v63  }
0x17d: {  	s20 =	simm.s32 $0xBA00  }
0x17e: {  	[tilespmem:s20], [sflag:$0x1] =	stream.indirect_vreg.gather [hbm4b:s6+s2], $0x80, v3, vm0, $0xb8;
	[tilespmem:$0x10200] =	vst v63  }
0x17f: {  	v3 =	vld [tilespmem:$0x1B0];
	_ =	sdelay $0x4  }
0x180: {  	v63 =	vshll.u32 v3, $0x3  }
0x181: {  	v3 =	vand.u32 $0x7, v3;
	v4 =	vand.u32 $0xFFFFFFC0, v63  }
0x182: {  	v3 =	vor.u32 v3, v4  }
0x183: {  	v4 =	vperm.xlane v3, v0;
	_ =	sdelay $0x1  }
0x184: {  	v4 =	vadd.s32 v1, v4;
	_ =	sdelay $0x3  }
0x185: {  	s24 =	simm.s32 $0xC200  }
0x186: {  	[tilespmem:s24], [sflag:$0x1] =	stream.indirect_vreg.gather [hbm4b:s3+s2], $0x80, v4, vm0, $0xb8;
	[tilespmem:$0x10200] =	vst v63  }
0x187: {  	s26 =	simm.s32 $0xCA00;
	v3 =	vperm.xlane v3, v2  }
0x188: {  	[tilespmem:s26], [sflag:$0x1] =	stream.indirect_vreg.gather [hbm4b:s4+s2], $0x80, v4, vm0, $0xb8;
	[tilespmem:$0x10200] =	vst v63  }
0x189: {  	s30 =	simm.s32 $0xD200;
	v3 =	vadd.s32 v1, v3  }
0x18a: {  	[tilespmem:s30], [sflag:$0x1] =	stream.indirect_vreg.gather [hbm4b:s5+s2], $0x80, v4, vm0, $0xb8;
	[tilespmem:$0x10200] =	vst v63  }
0x18b: {  	s28 =	simm.s32 $0xDA00  }
0x18c: {  	[tilespmem:s28], [sflag:$0x1] =	stream.indirect_vreg.gather [hbm4b:s6+s2], $0x80, v4, vm0, $0xb8;
	[tilespmem:$0x10200] =	vst v63  }
0x18d: {  	s21 =	simm.s32 $0xE200  }
0x18e: {  	[tilespmem:s21], [sflag:$0x1] =	stream.indirect_vreg.gather [hbm4b:s3+s2], $0x80, v3, vm0, $0xb8;
	[tilespmem:$0x10200] =	vst v63  }
0x18f: {  	s22 =	simm.s32 $0xEA00  }
0x190: {  	[tilespmem:s22], [sflag:$0x1] =	stream.indirect_vreg.gather [hbm4b:s4+s2], $0x80, v3, vm0, $0xb8;
	[tilespmem:$0x10200] =	vst v63  }
0x191: {  	s23 =	simm.s32 $0xF200  }
0x192: {  	[tilespmem:s23], [sflag:$0x1] =	stream.indirect_vreg.gather [hbm4b:s5+s2], $0x80, v3, vm0, $0xb8;
	[tilespmem:$0x10200] =	vst v63  }
0x193: {  	s29 =	simm.s32 $0xFA00  }
0x194: {  	[tilespmem:s29], [sflag:$0x1] =	stream.indirect_vreg.gather [hbm4b:s6+s2], $0x80, v3, vm0, $0xb8;
	[tilespmem:$0x10200] =	vst v63  }
0x195: {  	_ =	swait.ge [sflag:s18], $0x10000  }
0x196: {  	p0 =	sne.s32 s7, $0x1;
	[sflag:s18] =	ssyncset.done $0x0  }
.Ltmp0:
0x197: {  	s31 =	rddreg [dreg:$0xa];
	[sflag:s18] =	ssyncadd.s32 $0xFFFF0000;
	(pc) =	sbr.rel @p0 .LBB2_1-.Ltmp0, $4  }
0x198: {  	[hbm4b:s31+s2] =	stream.linear.scatter [tilespmem:s25], [sflag:$0x2], $0x10000, $0x38;
	[tilespmem:$0x10200] =	vst v63  }
0x199: {  	_ =	swait.ge [sflag:s8], $0x10000  }
0x19a: {  	[sflag:s8] =	ssyncset.done $0x0  }
0x19b: {  	s7 =	sadd.s32 $0xFFFFFFFF, s7;
	[sflag:s8] =	ssyncadd.s32 $0xFFFF0000  }
0x19c: {  	_ =	sfence.sel $0x180000  }
0x19d: {  	[bflag:$0x0] =	sbarrier.arrive $0xFFFF  }
0x19e: {  	_ =	strace $0x90000050  }
0x19f: {  	s0 =	stileid.u32;
	[bflag:$0x2] =	sbarrier.arrive $0xFFFF  }
0x1a0: {  	p0 =	sne.s32 s0, $0x0;
	s0 =	rddreg [dreg:$0x2]  }
0x1a1: {  	s0 =	sadd.s32 @!p0 $0x100000, s0  }
0x1a2: {  	[sflag:s0] =	ssyncadd.tile.s32 @!p0 $0x1;
	_ =	shalt  }
.Lfunc_end2:
_tile_overlayer_lowered:
.L_overlay_start_2:
0x1a3: {  	(tag) =	ssettag $0x2  }
0x1a4: {  	s0 =	rddreg [dreg:$0x0];
	s2 =	stileid.u32  }
0x1a5: {  	s1 =	rddreg [dreg:$0x1];
	p0 =	sne.s32 s2, $0x0  }
0x1a6: {  	s3 =	rddreg [dreg:$0x2];
	[bflag:$0x3] =	sbarrier.arrive $0xFFFF;
	s2 =	simm.s32 @!p0 $0x1C02  }
0x1a7: {  	[timem:s3], [sflag:s2] =	dma.local @!p0 [hbm:s0], s1  }
0x1a8: {  	s0 =	simm.s32 @!p0 $0x2  }
0x1a9: {  	_ =	swait.ge @!p0 [sflag:s0], s1  }
0x1aa: {  	s1 =	ssub.s32 @!p0 $0x0, s1;
	[sflag:s0] =	ssyncset.done @!p0 $0x0  }
0x1ab: {  	[sflag:s0] =	ssyncadd.s32 @!p0 s1  }
0x1ac: {  	[bflag:$0x3] =	sbarrier.arrive $0xFFFF  }
0x1ad: {  	_ =	shalt  }

// kernel: scatter_offload_async_start.1
scs
__scs_entry_jumppad:
0x0: {  	(pc) =	sbr.rel $0x88, $3  }
0x1: {  	(tag) =	ssettag $0x0;
	lr =	simm.s32 $0x1  }
0x2: {  	[smem:$0x3F95] =	sst lr;
	_ =	strace $0xD0000000  }
0x3: {  	_ = 	snop  }
0x4: {  	_ = 	snop  }
0x5: {  	_ = 	snop  }
0x6: {  	_ = 	snop  }
0x7: {  	_ = 	snop  }
__scs_overlays_trampoline_lowered:
0x8: {  	[smem:$0x3FA4] =	sst s0  }
0x9: {  	[smem:$0x3FA5] =	sst s1  }
0xa: {  	[smem:$0x3FA6] =	sst s2  }
0xb: {  	[smem:$0x3FA7] =	sst s3  }
0xc: {  	[smem:$0x3FA8] =	sst s4  }
0xd: {  	[smem:$0x3FA9] =	sst s5  }
0xe: {  	[smem:$0x3FAA] =	sst s6  }
0xf: {  	[smem:$0x3FAB] =	sst s7  }
0x10: {  	[smem:$0x3FAC] =	sst s8  }
0x11: {  	[smem:$0x3FAD] =	sst s9;
	s0 =	simm.s32 @!p0 $0x0  }
0x12: {  	s1 =	sld [smem:$0x3F93];
	s0 =	simm.s32 @p0 $0x1  }
0x13: {  	[smem:$0x3FAE] =	sst s0;
	s0 =	simm.s32 @!p1 $0x0  }
0x14: {  	s2 =	sld [smem:$0x3F92];
	s0 =	simm.s32 @p1 $0x1  }
0x15: {  	[smem:$0x3FAF] =	sst s0;
	s0 =	simm.s32 @!p2 $0x0  }
0x16: {  	s3 =	sld [smem:$0x3FDB];
	s0 =	simm.s32 @p2 $0x1  }
0x17: {  	s4 =	simm.s32 $0x1BF5;
	[smem:$0x3FB1] =	sst s0  }
0x18: {  	s0 =	sld [smem:$0x3F94];
	_ =	swait.ge [sflag:s4], $0x0  }
0x19: {  	s7 =	sld [smem:$0x3F95]  }
0x1a: {  	s8 =	sadd.s32 $0xFFFFE003, lr  }
0x1b: {  	s9 =	sadd.s32 $0xFFFFFEF7, lr;
	s5 =	simm.s32 $0xFFFFFFFF;
	p2 =	slt.u32 s8, $0xFFFFF086  }
0x1c: {  	p1 =	slt.u32 s9, $0xF7A;
	s5 =	simm.s32 @!p2 $0x0  }
0x1d: {  	s5 =	simm.s32 @p1 $0x1;
	p0 =	seq.s32 s7, s2  }
0x1e: {  	s7 =	smul.u32 @!p0 $0xF7A, s2;
	p2 =	seq.s32 @!p0 s5, $0x0  }
0x1f: {  	s9 =	smul.u32 $0xF7A, s1;
	s8 =	simm.s32 @!p0 $0x1BF5;
	p2 =	por !p2, p0  }
0x20: {  	[sflag:s8] =	ssyncset.s32 @!p0 $0xFFFFF086;
	s6 =	sadd.s32 @!p0 s3, s7;
	s7 =	simm.s32 @!p0 $0x108  }
0x21: {  	s3 =	sadd.s32 s3, s9;
	s6 =	sadd.s32 @!p0 $0x88, s6;
	s7 =	simm.s32 @p2 $0x1082  }
0x22: {  	[simem:s7], [sflag:s8] =	dma.local @!p0 [hbm:s6], $0xF7A  }
0x23: {  	s9 =	sor.u32 $0xD0000000, s2;
	s6 =	simm.s32 $0x108;
	_ =	swait.ge @!p0 [sflag:s8], $0x0  }
0x24: {  	s3 =	sadd.s32 $0x88, s3;
	s6 =	simm.s32 @!p1 $0x1082;
	[sflag:s4] =	ssyncset.s32 $0xFFFFF086  }
0x25: {  	[simem:s6], [sflag:s4] =	dma.local [hbm:s3], $0xF7A  }
0x26: {  	[smem:$0x3F95] =	sst s1;
	(tag) =	ssettag s2;
	_ =	strace s9  }
0x27: {  	s1 =	sld [smem:$0x3FA5]  }
0x28: {  	s2 =	sld [smem:$0x3FA6]  }
0x29: {  	s4 =	sld [smem:$0x3FA8]  }
0x2a: {  	p0 =	seq.s32 s5, $0x0;
	s5 =	sld [smem:$0x3FA9]  }
0x2b: {  	s6 =	sld [smem:$0x3FAA]  }
0x2c: {  	s7 =	sld [smem:$0x3FAB]  }
0x2d: {  	s3 =	simm.s32 $0x108;
	s8 =	sld [smem:$0x3FAC]  }
0x2e: {  	s3 =	simm.s32 @!p0 $0x1082;
	s9 =	sld [smem:$0x3FAD]  }
0x2f: {  	lr =	sadd.s32 s0, s3;
	s0 =	sld [smem:$0x3FA4]  }
0x30: {  	s3 =	sld [smem:$0x3FA7]  }
0x31: {  	[smem:$0x3FB0] =	sst s10  }
0x32: {  	s10 =	sld [smem:$0x3FAE];
	_ =	sdelay $0x3  }
0x33: {  	p0 =	seq.s32 s10, $0x1;
	s10 =	sld [smem:$0x3FB0];
	_ =	sdelay $0x3  }
0x34: {  	[smem:$0x3FB0] =	sst s10  }
0x35: {  	s10 =	sld [smem:$0x3FAF];
	_ =	sdelay $0x3  }
0x36: {  	p1 =	seq.s32 s10, $0x1;
	s10 =	sld [smem:$0x3FB0];
	_ =	sdelay $0x3  }
0x37: {  	[smem:$0x3FB0] =	sst s10  }
0x38: {  	s10 =	sld [smem:$0x3FB1]  }
0x39: {  	_ = 	snop;
	(pc) =	sbr.ind lr, $3  }
0x3a: {  	_ = 	snop  }
0x3b: {  	_ = 	snop  }
0x3c: {  	p2 =	seq.s32 s10, $0x1;
	s10 =	sld [smem:$0x3FB0]  }
0x3d: {  	_ =	shalt  }
0x3e: {  	_ =	shalt  }
0x3f: {  	_ =	shalt  }
0x40: {  	_ =	shalt  }
0x41: {  	_ =	shalt  }
0x42: {  	_ =	shalt  }
0x43: {  	_ =	shalt  }
0x44: {  	_ =	shalt  }
0x45: {  	_ =	shalt  }
0x46: {  	_ =	shalt  }
0x47: {  	_ =	shalt  }
0x48: {  	_ =	shalt  }
0x49: {  	_ =	shalt  }
0x4a: {  	_ =	shalt  }
0x4b: {  	_ =	shalt  }
0x4c: {  	_ =	shalt  }
0x4d: {  	_ =	shalt  }
0x4e: {  	_ =	shalt  }
0x4f: {  	_ =	shalt  }
0x50: {  	_ =	shalt  }
0x51: {  	_ =	shalt  }
0x52: {  	_ =	shalt  }
0x53: {  	_ =	shalt  }
0x54: {  	_ =	shalt  }
0x55: {  	_ =	shalt  }
0x56: {  	_ =	shalt  }
0x57: {  	_ =	shalt  }
0x58: {  	_ =	shalt  }
0x59: {  	_ =	shalt  }
0x5a: {  	_ =	shalt  }
0x5b: {  	_ =	shalt  }
0x5c: {  	_ =	shalt  }
0x5d: {  	_ =	shalt  }
0x5e: {  	_ =	shalt  }
0x5f: {  	_ =	shalt  }
0x60: {  	_ =	shalt  }
0x61: {  	_ =	shalt  }
0x62: {  	_ =	shalt  }
0x63: {  	_ =	shalt  }
0x64: {  	_ =	shalt  }
0x65: {  	_ =	shalt  }
0x66: {  	_ =	shalt  }
0x67: {  	_ =	shalt  }
0x68: {  	_ =	shalt  }
0x69: {  	_ =	shalt  }
0x6a: {  	_ =	shalt  }
0x6b: {  	_ =	shalt  }
0x6c: {  	_ =	shalt  }
0x6d: {  	_ =	shalt  }
0x6e: {  	_ =	shalt  }
0x6f: {  	_ =	shalt  }
0x70: {  	_ =	shalt  }
0x71: {  	_ =	shalt  }
0x72: {  	_ =	shalt  }
0x73: {  	_ =	shalt  }
0x74: {  	_ =	shalt  }
0x75: {  	_ =	shalt  }
0x76: {  	_ =	shalt  }
0x77: {  	_ =	shalt  }
0x78: {  	_ =	shalt  }
0x79: {  	_ =	shalt  }
0x7a: {  	_ =	shalt  }
0x7b: {  	_ =	shalt  }
0x7c: {  	_ =	shalt  }
0x7d: {  	_ =	shalt  }
0x7e: {  	_ =	shalt  }
0x7f: {  	_ =	shalt  }
0x80: {  	_ =	shalt  }
0x81: {  	_ =	shalt  }
0x82: {  	_ =	shalt  }
0x83: {  	_ =	shalt  }
0x84: {  	_ =	shalt  }
0x85: {  	_ =	shalt  }
0x86: {  	_ =	shalt  }
0x87: {  	_ =	shalt  }
.Lfunc_end0:
.L_simem_size_0:
called_computation.1_lowered:
.L_overlay_start_0:
0x88: {  	s0 =	sld [smem:$0x3FD9]  }
0x89: {  	s1 =	sld [smem:$0x3FFE];
	_ =	sdelay $0x3  }
0x8a: {  	s0 =	sadd.s32 s1, s0  }
0x8b: {  	[smem:$0x3FBC] =	sst s0  }
0x8c: {  	_ = 	snop  }
0x8d: {  	s0 =	sld [smem:$0x3FD0];
	_ =	sdelay $0x2  }
0x8e: {  	s13 =	simm.s32 $0xA;
	s2 =	simm.s32 $0x10  }
0x8f: {  	[smem:s2], [sflag:s13] =	dma.local [hbm:s0], $0x1  }
0x90: {  	_ =	swait.eq [sflag:s13], $0x1  }
0x91: {  	[sflag:s13] =	ssyncset.done $0x0  }
0x92: {  	[sflag:s13] =	ssyncadd.s32 $0xFFFFFFFF  }
0x93: {  	s14 =	sld [smem:$0x10];
	(tm) =	ssettm $0x1  }
0x94: {  	s15 =	sld [smem:$0x3FFB];
	_ =	sdelay $0x3  }
0x95: {  	_ =	strace s15  }
0x96: {  	s1 =	sld [smem:$0x3FFC];
	_ =	sdelay $0x3  }
0x97: {  	_ =	strace s1  }
0x98: {  	s1 =	sld [smem:$0x3FFD];
	_ =	sdelay $0x3  }
0x99: {  	_ =	strace s1  }
0x9a: {  	_ =	strace $0x8FFFFFFF  }
0x9b: {  	s16 =	sld [smem:$0x3FDB];
	_ =	sdelay $0x1  }
0x9c: {  	s17 =	simm.s32 $_scs_section_size  }
0x9d: {  	s3 =	simm.s32 $_size__tile_overlayer_lowered;
	s4 =	simm.s32 $_tile_overlayer_lowered  }
0x9e: {  	s20 =	simm.s32 $0x1BFF;
	s19 =	sshll.u32 s4, $0x1;
	s1 =	sadd.s32 s17, s16  }
0x9f: {  	s5 =	simm.s32 $0x0;
	s18 =	sshll.u32 s3, $0x1;
	s3 =	sadd.s32 s19, s1  }
0xa0: {  	[timem:s5], [sflag:s20] =	dma.local [hbm:s3], s18  }
0xa1: {  	_ =	swait.ge [sflag:s20], s18  }
0xa2: {  	s2 =	ssub.s32 $0x0, s18;
	[sflag:s20] =	ssyncset.done $0x0  }
0xa3: {  	[sflag:s20] =	ssyncadd.s32 s2;
	_ =	sdelay $0x1  }
0xa4: {  	s21 =	simm.s32 $0x1B8B  }
0xa5: {  	_ =	swait.ge [sflag:s21], $0x1  }
0xa6: {  	[sflag:s21] =	ssyncset.done $0x0  }
0xa7: {  	s23 =	simm.s32 $0x1B8E;
	s22 =	sld [smem:$0x3FFE];
	[sflag:s21] =	ssyncadd.s32 $0xFFFFFFFF  }
0xa8: {  	s24 =	simm.s32 $execute0_lowered;
	[smem:$0x3FD2] =	sst s23  }
0xa9: {  	s3 =	sshll.u32 s24, $0x1;
	_ =	strace $0x80000049;
	[dreg:$0x1] =	wrdreg $0xFFFFFFFF  }
0xaa: {  	s25 =	simm.s32 $_size_execute0_lowered;
	s1 =	sadd.s32 s1, s3;
	[dreg:$0x0] =	wrdreg $0x0  }
0xab: {  	s3 =	sshll.u32 s25, $0x1;
	[dreg:$0x2] =	wrdreg s1  }
0xac: {  	[dreg:$0x3] =	wrdreg s3  }
0xad: {  	[dreg:$0x4] =	wrdreg $0xC0  }
0xae: {  	_ =	task [dreg:s5], $0x5FFFF  }
0xaf: {  	[dreg:$0x1] =	wrdreg $0xFFFFFFFF  }
0xb0: {  	[dreg:$0x0] =	wrdreg $0x60  }
0xb1: {  	[dreg:$0x2] =	wrdreg s14  }
0xb2: {  	[dreg:$0x3] =	wrdreg s22  }
0xb3: {  	[dreg:$0x4] =	wrdreg $0x9  }
0xb4: {  	_ =	task.clear_ibuf [dreg:s5], $0x5FFFF;
	_ =	strace $0x90000049  }
0xb5: {  	s26 =	simm.s32 $0x9;
	_ =	strace $0x8000004B  }
0xb6: {  	_ =	swait.ge [sflag:s26], $0x1  }
0xb7: {  	[sflag:s26] =	ssyncadd.s32 $0xFFFFFFFF  }
0xb8: {  	_ =	strace $0x9000004B  }
0xb9: {  	_ =	sfence  }
0xba: {  	s28 =	sld [smem:$0x0];
	_ =	sdelay $0x1  }
0xbb: {  	s29 =	srdreg.scid  }
0xbc: {  	s30 =	sshll.u32 s29, $0xD;
	s31 =	sshrl.u32 s29, $0x2  }
0xbd: {  	s2 =	sand.u32 $0x4000, s30;
	s1 =	sand.u32 $0x1, s29;
	s0 =	sadd.s32 s31, s28  }
0xbe: {  	s1 =	sor.u32 s2, s1;
	s0 =	sshll.u32 s0, $0x11  }
0xbf: {  	s0 =	sor.u32 s0, s1  }
0xc0: {  	s0 =	sadd.s32 $0x8F2B, s0  }
0xc1: {  	[sflag:s0] =	ssyncadd.remote.s32 $0x1  }
0xc2: {  	_ =	sfence.sel $0xFFFF  }
0xc3: {  	[dreg:$0x0] =	wrdreg $0xFFFFFFFF;
	(pc) =	sbr.abs _section_cstart, $3  }
0xc4: {  	[dreg:$0x1] =	wrdreg $0xFFFFFFFF  }
0xc5: {  	_ =	task.clear_ibuf [dreg:s5], $0x2FFFF;
	_ =	strace $0x9FFFFFFF  }
0xc6: {  	(tm) =	ssettm $0x7FFFFFFF  }
0xc7: {  	_ =	shalt  }
tec
execute0_lowered:
.L_overlay_start_1:
0x0: {  	(tag) =	ssettag $0x1  }
0x1: {  	s1 =	rddreg [dreg:$0x0]  }
0x2: {  	s0 =	rddreg [dreg:$0x1];
	_ =	strace $0x8000004A;
	s3 =	simm.s32 $0x1  }
0x3: {  	v1 =	vimm.s32 $0xFFFFFFFF;
	[sflag:s3] =	ssyncpa.u1 $0x0  }
0x4: {  	[tilespmem:$0x10] =	vst v1  }
0x5: {  	v0 =	vimm.s32 $0x80000000;
	[tilespmem:$0x20] =	vst v1  }
0x6: {  	[tilespmem:$0x30] =	vst v0  }
0x7: {  	s2 =	simm.s32 $0x2;
	[tilespmem:$0x40] =	vst v0  }
0x8: {  	s6 =	simm.s32 $0x7;
	s26 =	stileid.u32;
	s7 =	simm.s32 $0x8;
	[tilespmem:$0x50] =	vst v0  }
0x9: {  	s31 =	simm.s32 $0x9;
	s14 =	simm.s32 $0x0;
	s15 =	simm.s32 $0x100;
	[tilespmem:$0x60] =	vst v1  }
0xa: {  	s19 =	simm.s32 $0x1300;
	s20 =	simm.s32 $0xF;
	s21 =	simm.s32 $0x50;
	[tilespmem:$0x70] =	vst v1  }
0xb: {  	s22 =	simm.s32 $0x8FF;
	s23 =	simm.s32 $0x20;
	s24 =	simm.s32 $0x30;
	[tilespmem:$0x80] =	vst v1  }
0xc: {  	s25 =	simm.s32 $0x10FF;
	s30 =	simm.s32 $0x0;
	s29 =	simm.s32 $0x0;
	v1 =	vimm.s32 $0x0;
	[tilespmem:$0xB0] =	vst v0  }
.Ltmp0:
0xd: {  	s4 =	sadd.s32 $0xC00, s0;
	s5 =	sadd.s32 $0x1000, s0;
	[tilespmem:$0x90] =	vst v1;
	(pc) =	sbr.rel .LBB2_1-.Ltmp0, $4  }
0xe: {  	s8 =	sshll.u32 s26, $0x9;
	s10 =	sshll.u32 s26, $0x1;
	[tilespmem:$0xA0] =	vst v1;
	[sflag:s2] =	ssyncpa.u1 $0x0  }
0xf: {  	s12 =	sshllo.u32 s26, $0x1;
	s26 =	simm.s32 $0x80;
	[sflag:s6] =	ssyncpa.u1 $0x0  }
0x10: {  	vm0 =	vmmov $0xffff;
	v2 =	vlaneseq.u32;
	s9 =	sadd.s32 $0x200, s8;
	s11 =	sor.u32 $0x81, s10;
	[sflag:s7] =	ssyncpa.u1 $0x0  }
0x11: {  	vm1 =	vmxor vm1, vm1;
	vm2 =	vmmov $0x1;
	vm3 =	vcmask $0x3F3C;
	s13 =	sor.u32 $0x80, s10;
	s28 =	smov.u32 s8;
	[sflag:s31] =	ssyncpa.u1 $0x0  }
.LBB2_3:
0x12: {  	s0 =	sshrl.u32 s28, $0x3  }
0x13: {  	s2 =	sand.u32 $0x7, s28;
	s0 =	sadd.s32 s4, s0  }
0x14: {  	[tilespmem:s15], [sflag:$0x7] =	stream.linear.gather [hbm4b:s0+s2], $0x200, $0x38;
	[tilespmem:$0x1320] =	vst v63  }
.LBB2_4:
0x15: {  	s0 =	sadd.s32 $0x200, s28  }
0x16: {  	s2 =	smov.u32 s8;
	s29 =	sadd.s32 $0x1, s29;
	p0 =	slt.s32 s0, s9  }
0x17: {  	s2 =	smov.u32 @p0 s0;
	p0 =	sne.s32 s29, $0x4  }
.Ltmp1:
0x18: {  	_ = 	snop;
	(pc) =	sbr.rel @!p0 .LBB2_13-.Ltmp1, $2  }
0x19: {  	_ =	sdelay $0x2  }
0x1a: {  	s30 =	smov.u32 s28;
	s28 =	smov.u32 s2  }
.LBB2_1:
0x1b: {  	p0 =	sgt.s32 s29, $0x1  }
.Ltmp2:
0x1c: {  	_ = 	snop;
	(pc) =	sbr.rel @p0 .LBB2_11-.Ltmp2, $1  }
0x1d: {  	_ =	sdelay $0x3  }
0x1e: {  	p0 =	seq.s32 s29, $0x0  }
.Ltmp3:
0x1f: {  	_ = 	snop;
	(pc) =	sbr.rel @p0 .LBB2_3-.Ltmp3, $1  }
0x20: {  	_ =	sdelay $0x3  }
0x21: {  	_ =	swait.ge [sflag:s6], $0x200  }
0x22: {  	[sflag:s6] =	ssyncset.done $0x0  }
0x23: {  	[sflag:s6] =	ssyncadd.s32 $0xFFFFFE00;
	(ifvalue) =	ssetifvalue $0xFFFFFFFF;
	v3 =	vld.msk [tilespmem:s15+$0x0 ss:$0x1], $0xffff;
	_ =	sdelay $0x4  }
0x24: {  	v4 =	vperm.xlane v3, v1  }
0x25: {  	vm4 =	vlt.u32 v3, $0x2000  }
0x26: {  	v3 =	vnsel vm4, $0xFFFFFFFE, v3;
	vm4 =	vlt.u32 v4, $0x2000  }
0x27: {  	[tilespmem:$0x70] =	vst v3;
	v3 =	vnsel vm4, $0xFFFFFFFE, v4  }
0x28: {  	s17 =	simm.s32 $0x2F0;
	[tilespmem:$0x80] =	vst v3  }
0x29: {  	v3 =	vld.msk [tilespmem:s17+$0x0 ss:$0x1], $0xffff;
	_ =	sdelay $0x4  }
0x2a: {  	(xrf1) =	vunique.msk.u32 $0xffff, v3;
	_ =	sdelay $0xd  }
0x2b: {  	v4 =	vimm.s32 $0xFFFFFFFF;
	v5, _, _ =	vpop (xrf1)  }
0x2c: {  	vm5 =	vne.s32 v3, v4;
	vm4 =	veq.s32 v5, v2  }
0x2d: {  	vm6 =	vlt.u32 v3, $0x2000;
	vm4 =	vmand vm5, vm4  }
0x2e: {  	vm4 =	vmand vm6, vm4  }
0x2f: {  	v4 =	vnsel vm4, $0xFFFFFFFF, v3;
	_ =	sdelay $0x3  }
0x30: {  	s0 =	simm.s32 $0x8F0;
	(ifvalue) =	ssetifvalue $0xFFFFFFFF  }
0x31: {  	v3 =	vperm.xlane v3, v1;
	[tilespmem:s0], [sflag:$0x8] =	stream.indirect_vreg.gather [hbm4b:s1+s14], $0x1, v4, vm0, $0x4038;
	v4 =	vnsel vm6, $0xFFFFFFFE, v4;
	[tilespmem:$0x1320] =	vst v63  }
0x32: {  	s2 =	simm.s32 $0x0;
	s16 =	simm.s32 $0x2E0;
	[tilespmem:s17+$0x0] =	vst v4  }
.LBB2_6:
0x33: {  	v4 =	vld.msk [tilespmem:s16+$0x0 ss:$0x1], $0xffff;
	s2 =	sadd.s32 $0x10, s2;
	v5 =	vmov v3;
	s17 =	smov.u32 s16  }
0x34: {  	p0 =	slt.u32 s2, $0x1F0;
	_ =	sdelay $0x4  }
0x35: {  	v3 =	vperm.xlane v4, v1;
	(xrf1) =	vunique.msk.u32 $0xffff, v4;
	_ =	sdelay $0xd  }
0x36: {  	v6, _, _ =	vpop (xrf1)  }
0x37: {  	vm5 =	vne.s32 v4, v5;
	vm4 =	veq.s32 v6, v2  }
0x38: {  	vm6 =	vlt.u32 v4, $0x2000;
	vm4 =	vmand vm5, vm4  }
0x39: {  	vm4 =	vmand vm6, vm4  }
0x3a: {  	v4 =	vnsel vm4, $0xFFFFFFFF, v4  }
.Ltmp4:
0x3b: {  	v5 =	vnsel vm6, $0xFFFFFFFE, v4;
	(pc) =	sbr.rel @p0 .LBB2_6-.Ltmp4, $3  }
0x3c: {  	_ =	sdelay $0x1  }
0x3d: {  	s16 =	sadd.s32 $0xFFFFFFF0, s16;
	s0 =	sadd.s32 $0xFFFFFFF0, s0;
	(ifvalue) =	ssetifvalue $0xFFFFFFFF  }
0x3e: {  	[tilespmem:s0], [sflag:$0x8] =	stream.indirect_vreg.gather [hbm4b:s1+s14], $0x1, v4, vm0, $0x4038;
	[tilespmem:s17+$0x0] =	vst v5  }
.Ltmp5:
0x3f: {  	(pc) =	sbr.rel .LBB2_4-.Ltmp5, $4  }
0x40: {  	_ = 	snop  }
0x41: {  	s0 =	sshrl.u32 s30, $0x3  }
0x42: {  	s2 =	simm.s32 $0xB00;
	s0 =	sadd.s32 s5, s0  }
0x43: {  	[tilespmem:s2], [sflag:$0x8] =	stream.linear.gather [hbm:s0], $0x200, $0x38;
	[tilespmem:$0x1320] =	vst v63  }
.LBB2_11:
0x44: {  	p0 =	seq.s32 s29, $0x2  }
.Ltmp6:
0x45: {  	_ = 	snop;
	(pc) =	sbr.rel @!p0 .LBB2_12-.Ltmp6, $1  }
0x46: {  	_ =	sdelay $0x3  }
0x47: {  	_ =	swait.ge [sflag:s7], $0x400  }
0x48: {  	[sflag:s7] =	ssyncset.done $0x0  }
0x49: {  	s0 =	simm.s32 $0x2FF;
	[sflag:s7] =	ssyncadd.s32 $0xFFFFFC00  }
0x4a: {  	[spmem:s11] =	stream.linear.scatter [tilespmem:s0], [sflag:$0x1], $0x1, $0x38;
	[tilespmem:$0x1320] =	vst v63  }
0x4b: {  	_ =	swait.ge [sflag:s3], $0x1  }
0x4c: {  	[sflag:s3] =	ssyncset.done $0x0  }
0x4d: {  	[sflag:s3] =	ssyncadd.s32 $0xFFFFFFFF  }
0x4e: {  	v4 =	vld [tilespmem:$0x10]  }
0x4f: {  	v5 =	vld [tilespmem:$0x70]  }
0x50: {  	v3 =	vld [tilespmem:$0x80];
	_ =	sdelay $0x2  }
0x51: {  	(v2sf) =	vpush v4, $0x0  }
0x52: {  	(v2sf) =	vpush v5, $0x0  }
0x53: {  	(v2sf) =	vpush v3, $0x0;
	_ =	sdelay $0xc  }
0x54: {  	s18 =	spop (v2sf)  }
0x55: {  	s2 =	spop (v2sf)  }
0x56: {  	s30 =	spop (v2sf)  }
0x57: {  	p0 =	seq.s32 s18, s2;
	p1 =	seq.s32 s30, s18  }
0x58: {  	p1 =	por p0, p1  }
0x59: {  	s2 =	simm.s32 $0x10;
	v4 =	vpsel p1, $0xFFFFFFFF, v4  }
0x5a: {  	[tilespmem:s2+$0x0] =	vst.msk $0x1, v4  }
0x5b: {  	v4 =	vld [tilespmem:$0x30]  }
0x5c: {  	v5 =	vld [tilespmem:$0xB00]  }
0x5d: {  	v6 =	vld [tilespmem:$0x40];
	_ =	sdelay $0x3  }
0x5e: {  	vm4 =	vmmov vm1;
	vm6 =	vmmov vm2;
	vm5 =	vgt.s32 v4, v5  }
0x5f: {  	s16 =	simm.s32 $0xB00;
	vm4 =	vmmov @p0 vm2;
	v5 =	vsel vm5, v4, v5;
	vm5 =	vgt.s32 v4, v6  }
0x60: {  	vm6 =	vmmov @p1 vm1;
	v4 =	vsel vm5, v4, v6;
	[tilespmem:s16+$0x0] =	vst.msk vm4, v5  }
0x61: {  	[tilespmem:s19+$0x0] =	vst.msk vm6, v4  }
0x62: {  	v4 =	vld [tilespmem:$0x8F0];
	_ =	sdelay $0x4  }
0x63: {  	v4 =	vshift.insert v4, v1, s20;
	_ =	sdelay $0x1  }
0x64: {  	v5 =	vimm.s32 $0x80000000;
	[tilespmem:s21+$0x0] =	vst.msk $0x1, v4  }
0x65: {  	[tilespmem:s22+$0x0] =	vst.msk $0x1, v5  }
0x66: {  	v4 =	vld [tilespmem:$0x2F0];
	_ =	sdelay $0x4  }
0x67: {  	v4 =	vshift.insert v4, v1, s20;
	_ =	sdelay $0x1  }
0x68: {  	[tilespmem:s23+$0x0] =	vst.msk $0x1, v4  }
0x69: {  	v6 =	vld [tilespmem:s16+$0x0]  }
0x6a: {  	s17 =	simm.s32 $0x100  }
0x6b: {  	v7 =	vld [tilespmem:s17+$0x0];
	_ =	sdelay $0x2  }
0x6c: {  	vm4 =	vgt.s32 v6, v5  }
0x6d: {  	v5 =	vsel vm4, v6, v5  }
0x6e: {  	vm4 =	vne.s32 v7, $0xFFFFFFFF;
	v5 =	vxor.u32 $0x80000000, v5  }
0x6f: {  	(xrf0) =	vmax.seg.scan.u32 vm4, v5  }
0x70: {  	s18 =	simm.s32 $0x700  }
0x71: {  	v8 =	vld [tilespmem:s18+$0x0]  }
0x72: {  	v6 =	vld [tilespmem:$0xA0];
	_ =	sdelay $0x2  }
0x73: {  	v5 =	vperm.xlane v4, v1;
	v9, _, _ =	vpop (xrf0)  }
0x74: {  	vm6 =	veq.s32 v7, v3;
	v9 =	vxor.u32 $0x80000000, v9  }
0x75: {  	vm8 =	veq.s32 v7, v5;
	vm5 =	veq.s32 v6, $0x1;
	vm7 =	vgt.s32 v9, v8  }
0x76: {  	vm8 =	vmor vm8, vm6;
	v6 =	vsel vm7, v9, v8;
	vm7 =	vgt.u32 v7, $0xFFFFFFFD  }
0x77: {  	v10 =	vld [tilespmem:$0x90];
	vm9 =	vmand vm4, vm3;
	vm4 =	vmor vm5, vm6;
	vm5 =	vmor vm8, vm7  }
0x78: {  	v8 =	vsel vm5, $0xFFFFFFFF, v7;
	_ =	sdelay $0x1  }
0x79: {  	s31 =	simm.s32 $0xF00  }
0x7a: {  	s0 =	simm.s32 $0x0;
	s2 =	simm.s32 $0xB10;
	s16 =	simm.s32 $0x110;
	v11 =	vsel vm9, $0x80000000, v9;
	v6 =	vsel vm6, v9, v6  }
0x7b: {  	s17 =	simm.s32 $0xF10;
	s18 =	simm.s32 $0x710;
	[tilespmem:s31+$0x0] =	vst v6;
	v6 =	vsel vm6, v9, v10;
	v7 =	vshift.insert v11, v0, s20;
	(ifvalue) =	ssetifvalue $0xFFFFFFFF  }
.LBB2_9:
0x7c: {  	[hbm4b:s1+s14] =	stream.indirect_vreg.scatter [tilespmem:s31], [sflag:$0x2], $0x1, v8, vm0, $0x4038;
	[tilespmem:$0x1320] =	vst v63  }
0x7d: {  	s0 =	sadd.s32 $0x10, s0;
	s31 =	smov.u32 s17;
	v8 =	vld [tilespmem:s2+$0x0]  }
0x7e: {  	p0 =	slt.u32 s0, $0x1F0  }
0x7f: {  	v9 =	vld [tilespmem:s16+$0x0];
	_ =	sdelay $0x2  }
0x80: {  	vm5 =	vgt.s32 v8, v7  }
0x81: {  	v7 =	vsel vm5, v8, v7  }
0x82: {  	vm5 =	vne.s32 v9, $0xFFFFFFFF;
	v7 =	vxor.u32 $0x80000000, v7  }
0x83: {  	(xrf0) =	vmax.seg.scan.u32 vm5, v7;
	_ =	sdelay $0x2  }
0x84: {  	v7 =	vld [tilespmem:s18+$0x0];
	_ =	sdelay $0x1  }
0x85: {  	vm6 =	veq.s32 v9, v3;
	vm7 =	veq.s32 v9, v5  }
0x86: {  	vm8 =	vgt.u32 v9, $0xFFFFFFFD;
	vm4 =	vmor vm4, vm6;
	vm7 =	vmor vm7, vm6;
	v8, _, _ =	vpop (xrf0)  }
0x87: {  	vm5 =	vmand vm5, vm3;
	vm7 =	vmor vm7, vm8;
	v10 =	vxor.u32 $0x80000000, v8  }
.Ltmp7:
0x88: {  	v8 =	vsel vm7, $0xFFFFFFFF, v9;
	vm7 =	vgt.s32 v10, v7;
	v9 =	vsel vm5, $0x80000000, v10;
	(pc) =	sbr.rel @p0 .LBB2_9-.Ltmp7, $4  }
0x89: {  	v6 =	vsel vm6, v10, v6;
	v11 =	vsel vm7, v10, v7;
	v7 =	vshift.insert v9, v0, s20  }
0x8a: {  	v9 =	vsel vm6, v10, v11  }
0x8b: {  	s2 =	sadd.s32 $0x10, s2;
	s16 =	sadd.s32 $0x10, s16;
	[tilespmem:s17+$0x0] =	vst v9  }
0x8c: {  	s18 =	sadd.s32 $0x10, s18;
	s17 =	sadd.s32 $0x10, s17;
	(ifvalue) =	ssetifvalue $0xFFFFFFFF  }
0x8d: {  	_ =	sdelay $0x3  }
0x8e: {  	[hbm4b:s1+s14] =	stream.indirect_vreg.scatter [tilespmem:s31], [sflag:$0x2], $0x1, v8, vm0, $0x4038;
	[tilespmem:$0x1320] =	vst v63  }
0x8f: {  	v3 =	vld [tilespmem:$0x10F0];
	_ =	sdelay $0x4  }
0x90: {  	v3 =	vshift.insert v3, v1, s20;
	_ =	sdelay $0x1  }
0x91: {  	[tilespmem:s24+$0x0] =	vst.msk $0x1, v3  }
0x92: {  	v3 =	vsel vm4, $0x1, v1;
	[tilespmem:$0x90] =	vst v6  }
0x93: {  	[tilespmem:$0xA0] =	vst v3  }
0x94: {  	[spmem:s12] =	stream.linear.scatter [tilespmem:s25], [sflag:$0x1], $0x1, $0x38;
	[tilespmem:$0x1320] =	vst v63  }
0x95: {  	v3 =	vmctz.xlane vm4;
	_ =	swait.ge [sflag:s3], $0x1  }
0x96: {  	(v2sf) =	vpush v4, $0x0  }
0x97: {  	(v2sf) =	vpush v3, $0x0;
	_ =	sdelay $0xd  }
0x98: {  	s0 =	spop (v2sf)  }
0x99: {  	s2 =	spop (v2sf)  }
0x9a: {  	[sflag:s3] =	ssyncset.done $0x0;
	p0 =	sne.s32 s30, s0;
	p1 =	slt.s32 s2, $0xF  }
0x9b: {  	[sflag:s3] =	ssyncadd.s32 $0xFFFFFFFF;
	v3 =	vimm.s32 @!p0 $0xFFFFFFFF;
	s2 =	simm.s32 @!p1 $0xF  }
0x9c: {  	[tilespmem:$0x80] =	vst @!p0 v3;
	s31 =	sadd.s32 $0x90, s2  }
0x9d: {  	[spmem:s10] =	stream.linear.scatter [tilespmem:s31], [sflag:$0x1], $0x1, $0x38;
	[tilespmem:$0x1320] =	vst v63  }
0x9e: {  	_ =	swait.ge [sflag:s3], $0x1  }
0x9f: {  	[sflag:s3] =	ssyncset.done $0x0  }
0xa0: {  	[sflag:s3] =	ssyncadd.s32 $0xFFFFFFFF  }
0xa1: {  	[spmem:s13] =	stream.linear.scatter [tilespmem:s26], [sflag:$0x1], $0x1, $0x38;
	[tilespmem:$0x1320] =	vst v63  }
0xa2: {  	_ =	swait.ge [sflag:s3], $0x1  }
0xa3: {  	[sflag:s3] =	ssyncset.done $0x0  }
0xa4: {  	[sflag:s3] =	ssyncadd.s32 $0xFFFFFFFF;
	(ifvalue) =	ssetifvalue $0xFFFFFFFF;
	v3 =	vld [tilespmem:$0x10];
	_ =	sdelay $0x3  }
.Ltmp8:
0xa5: {  	_ = 	snop;
	(pc) =	sbr.rel .LBB2_4-.Ltmp8, $3  }
0xa6: {  	_ =	sdelay $0x1  }
0xa7: {  	(ifvalue) =	ssetifvalue $0xFFFFFFFF  }
0xa8: {  	[hbm4b:s1+s14] =	stream.indirect_vreg.scatter [tilespmem:s19], [sflag:$0x9], $0x1, v3, vm0, $0x4038;
	[tilespmem:$0x1320] =	vst v63  }
.LBB2_12:
0xa9: {  	s0 =	simm.s32 $0x2  }
0xaa: {  	_ =	swait.ge [sflag:s0], $0x200  }
0xab: {  	[sflag:s0] =	ssyncset.done $0x0  }
0xac: {  	s31 =	simm.s32 $0x9;
	[sflag:s0] =	ssyncadd.s32 $0xFFFFFE00  }
0xad: {  	_ =	swait.ge [sflag:s31], $0x10  }
0xae: {  	[sflag:s31] =	ssyncset.done $0x0  }
0xaf: {  	[sflag:s31] =	ssyncadd.s32 $0xFFFFFFF0  }
.LBB2_13:
0xb0: {  	_ =	sfence.sel $0x180000  }
0xb1: {  	s0 =	simm.s32 $0x7;
	[bflag:$0x0] =	sbarrier.arrive $0xFFFF  }
0xb2: {  	s26 =	simm.s32 $0x8;
	[sflag:s0] =	ssyncpa.u1 $0x1  }
0xb3: {  	s28 =	simm.s32 $0x9;
	[sflag:s26] =	ssyncpa.u1 $0x1  }
0xb4: {  	[sflag:s28] =	ssyncpa.u1 $0x1  }
0xb5: {  	_ =	sfence.stream.spmem  }
0xb6: {  	s29 =	simm.s32 $0x3;
	[bflag:$0x0] =	sbarrier.arrive $0xFFFF  }
0xb7: {  	s30 =	simm.s32 $0x4;
	[sflag:s29] =	ssyncpa.u1 $0x1  }
0xb8: {  	s31 =	simm.s32 $0x3C;
	s2 =	stileid.u32;
	[sflag:s30] =	ssyncpa.u1 $0x1  }
0xb9: {  	p0 =	sne.s32 s2, $0x0;
	[sflag:s31] =	ssyncpa.u1 $0x1  }
0xba: {  	s0 =	simm.s32 @p0 $0x1;
	_ =	sfence @p0  }
0xbb: {  	[sflag:s0] =	ssyncpa.u1 @p0 $0x1;
	s0 =	simm.s32 @p0 $0x2  }
0xbc: {  	[sflag:s0] =	ssyncpa.u1 @p0 $0x1  }
0xbd: {  	_ =	strace @p0 $0x9000004A  }
0xbe: {  	[bflag:$0x2] =	sbarrier.arrive @p0 $0xFFFF  }
0xbf: {  	_ =	shalt @p0  }
.LBB2_14:
0xc0: {  	_ =	sfence.stream.spmem;
	s0 =	simm.s32 $0x5  }
0xc1: {  	s2 =	simm.s32 $0x80;
	s3 =	simm.s32 $0xC0;
	[sflag:s0] =	ssyncpa.u1 $0x0  }
0xc2: {  	[tilespmem:s3], [sflag:$0x5] =	stream.linear.gather [spmem:s2], $0x20, $0x38;
	[tilespmem:$0x1320] =	vst v63  }
0xc3: {  	s30 =	simm.s32 $0xE0;
	s2 =	simm.s32 $0x0  }
0xc4: {  	[tilespmem:s30], [sflag:$0x5] =	stream.linear.gather [spmem:s2], $0x20, $0x38;
	[tilespmem:$0x1320] =	vst v63  }
.Ltmp9:
0xc5: {  	_ = 	snop;
	(pc) =	sbr.rel .LBB2_15-.Ltmp9, $4  }
0xc6: {  	_ =	swait.ge [sflag:s0], $0x40  }
0xc7: {  	[sflag:s0] =	ssyncset.done $0x0  }
0xc8: {  	s31 =	simm.s32 $0x6;
	[sflag:s0] =	ssyncadd.s32 $0xFFFFFFC0  }
0xc9: {  	s3 =	simm.s32 $0x0;
	[sflag:s31] =	ssyncpa.u1 $0x0  }
.LBB2_20:
0xca: {  	p0 =	sgt.u32 s4, $0x1FFF  }
0xcb: {  	s0 =	sshrl.u32 @!p0 s4, $0x3  }
0xcc: {  	s4 =	sand.u32 @!p0 $0x7, s4;
	s5 =	simm.s32 @!p0 $0xB0;
	s0 =	sadd.s32 @!p0 s1, s0  }
0xcd: {  	[tilespmem:s5], [sflag:$0x6] =	stream.linear.gather @!p0 [hbm4b:s0+s4], $0x1, $0x38;
	[tilespmem:$0x1320] =	vst v63  }
0xce: {  	s0 =	simm.s32 @!p0 $0x6  }
0xcf: {  	_ =	swait.ge @!p0 [sflag:s0], $0x1  }
0xd0: {  	[sflag:s0] =	ssyncset.done @!p0 $0x0  }
0xd1: {  	[sflag:s0] =	ssyncadd.s32 @!p0 $0xFFFFFFFF  }
0xd2: {  	v1 =	vld.msk @!p0 [tilespmem:$0xB0], $0x1  }
0xd3: {  	v2 =	vld.msk @!p0 [tilespmem:s3+$0xE0], $0x1;
	_ =	sdelay $0x4  }
0xd4: {  	vm0 =	vgt.s32 @!p0 v2, v1  }
0xd5: {  	v1 =	vsel @!p0 vm0, v2, v1  }
0xd6: {  	[tilespmem:s3+$0xE0] =	vst.msk @!p0 $0x1, v1  }
0xd7: {  	[tilespmem:s2+$0xC0] =	vst.msk $0x1, v0  }
0xd8: {  	v0 =	vld.msk [tilespmem:s3+$0xE0], $0x1;
	_ =	sdelay $0x4  }
0xd9: {  	[tilespmem:s2+$0xE0] =	vst.msk $0x1, v0;
	s2 =	sadd.s32 $0x1, s2  }
.LBB2_22:
0xda: {  	s3 =	sadd.s32 $0x1, s3  }
0xdb: {  	p0 =	sne.s32 s3, $0x20  }
.Ltmp10:
0xdc: {  	_ = 	snop;
	(pc) =	sbr.rel @!p0 .LBB2_23-.Ltmp10, $1  }
0xdd: {  	_ =	sdelay $0x3  }
.LBB2_15:
0xde: {  	v0 =	vld.msk [tilespmem:s3+$0xC0], $0x1;
	_ =	sdelay $0x4  }
0xdf: {  	(v2sf) =	vpush v0, $0x0;
	_ =	sdelay $0xe  }
0xe0: {  	s4 =	spop (v2sf)  }
0xe1: {  	p0 =	seq.s32 s4, $0xFFFFFFFF  }
.Ltmp11:
0xe2: {  	_ = 	snop;
	(pc) =	sbr.rel @p0 .LBB2_22-.Ltmp11, $1  }
0xe3: {  	_ =	sdelay $0x3  }
0xe4: {  	p0 =	slt.s32 s2, $0x1  }
.Ltmp12:
0xe5: {  	_ = 	snop;
	(pc) =	sbr.rel @p0 .LBB2_20-.Ltmp12, $1  }
0xe6: {  	_ =	sdelay $0x3  }
0xe7: {  	s0 =	simm.s32 $0xC0;
	p0 =	por $0x0, $0x0  }
0xe8: {  	v1 =	vld.msk @!p0 [tilespmem:s0+$0x0], $0x1;
	_ =	sdelay $0x4  }
0xe9: {  	(v2sf) =	vpush @!p0 v1, $0x0;
	_ =	sdelay $0xd  }
0xea: {  	p2 =	sne.s32 s2, $0x1  }
.Ltmp13:
0xeb: {  	s5 =	spop @!p0 (v2sf);
	(pc) =	sbr.rel @!p2 .LBB2_19-.Ltmp13, $4  }
0xec: {  	p1 =	seq.s32 @!p0 s4, s5  }
0xed: {  	s5 =	simm.s32 $0x0;
	p1 =	por !p1, p0  }
0xee: {  	s7 =	simm.s32 $0xFFFFFFFF;
	s5 =	simm.s32 @p1 $0xFFFFFFFF  }
0xef: {  	s6 =	simm.s32 $0x1;
	s5 =	smov.u32 @p0 s7  }
.LBB2_18:
0xf0: {  	s7 =	smov.u32 s5;
	p0 =	sne.s32 s5, $0xFFFFFFFF  }
0xf1: {  	s0 =	sadd.s32 $0x1, s0;
	s5 =	smov.u32 s6;
	s6 =	sadd.s32 $0x1, s6  }
0xf2: {  	p1 =	sne.s32 s2, s6;
	v1 =	vld.msk @!p0 [tilespmem:s0+$0x0], $0x1;
	_ =	sdelay $0x4  }
0xf3: {  	(v2sf) =	vpush @!p0 v1, $0x0;
	_ =	sdelay $0xe  }
.Ltmp14:
0xf4: {  	s8 =	spop @!p0 (v2sf);
	(pc) =	sbr.rel @p1 .LBB2_18-.Ltmp14, $4  }
0xf5: {  	p2 =	seq.s32 @!p0 s4, s8  }
0xf6: {  	p2 =	por !p2, p0  }
0xf7: {  	s5 =	simm.s32 @p2 $0xFFFFFFFF  }
0xf8: {  	s5 =	smov.u32 @p0 s7  }
.LBB2_19:
0xf9: {  	p0 =	sne.s32 s5, $0xFFFFFFFF  }
.Ltmp15:
0xfa: {  	_ = 	snop;
	(pc) =	sbr.rel @!p0 .LBB2_20-.Ltmp15, $1  }
0xfb: {  	_ =	sdelay $0x3  }
0xfc: {  	v0 =	vld.msk [tilespmem:s3+$0xE0], $0x1  }
0xfd: {  	v1 =	vld.msk [tilespmem:s5+$0xE0], $0x1;
	_ =	sdelay $0x2  }
.Ltmp16:
0xfe: {  	_ = 	snop;
	(pc) =	sbr.rel .LBB2_22-.Ltmp16, $4  }
0xff: {  	_ = 	snop  }
0x100: {  	vm0 =	vgt.s32 v1, v0  }
0x101: {  	v0 =	vsel vm0, v1, v0  }
0x102: {  	[tilespmem:s5+$0xE0] =	vst.msk $0x1, v0  }
.LBB2_23:
0x103: {  	p0 =	slt.s32 s2, $0x1  }
.Ltmp17:
0x104: {  	_ = 	snop;
	(pc) =	sbr.rel @p0 .LBB2_27-.Ltmp17, $3  }
0x105: {  	_ =	sdelay $0x1  }
0x106: {  	s0 =	simm.s32 $0x6  }
0x107: {  	[sflag:s0] =	ssyncpa.u1 $0x1;
	s0 =	simm.s32 $0x0  }
0x108: {  	s3 =	simm.s32 $0xC0  }
0x109: {  	v0 =	vld.msk [tilespmem:s3+$0x0], $0x1;
	_ =	sdelay $0x4  }
0x10a: {  	(v2sf) =	vpush v0, $0x0;
	_ =	sdelay $0xe  }
0x10b: {  	s2 =	sadd.s32 $0xFFFFFFFF, s2;
	s4 =	spop (v2sf)  }
0x10c: {  	p1 =	sne.s32 s2, $0x0;
	p0 =	sgt.u32 s4, $0x1FFF  }
.Ltmp18:
0x10d: {  	s5 =	sshrl.u32 @!p0 s4, $0x3;
	(pc) =	sbr.rel @!p1 .LBB2_26-.Ltmp18, $4  }
0x10e: {  	s3 =	simm.s32 $0xE0;
	s4 =	sand.u32 @!p0 $0x7, s4;
	s5 =	sadd.s32 @!p0 s1, s5  }
0x10f: {  	[hbm4b:s5+s4] =	stream.linear.scatter @!p0 [tilespmem:s3], [sflag:$0x5], $0x1, $0x38;
	[tilespmem:$0x1320] =	vst v63  }
0x110: {  	s5 =	simm.s32 $0x0  }
0x111: {  	s4 =	simm.s32 $0xC1;
	s5 =	simm.s32 @!p0 $0x4  }
.LBB2_25:
0x112: {  	v0 =	vld.msk [tilespmem:s4+$0x0], $0x1;
	s2 =	sadd.s32 $0xFFFFFFFF, s2;
	s0 =	sadd.s32 s0, s5  }
0x113: {  	p0 =	sne.s32 s2, $0x0;
	_ =	sdelay $0x3  }
0x114: {  	(v2sf) =	vpush v0, $0x0;
	_ =	sdelay $0xe  }
.Ltmp19:
0x115: {  	s6 =	spop (v2sf);
	(pc) =	sbr.rel @p0 .LBB2_25-.Ltmp19, $4  }
0x116: {  	s5 =	simm.s32 $0x0;
	p1 =	sgt.u32 s6, $0x1FFF  }
0x117: {  	s3 =	sadd.s32 $0x1, s3;
	s5 =	simm.s32 @!p1 $0x4;
	s7 =	sshrl.u32 @!p1 s6, $0x3  }
0x118: {  	s4 =	sadd.s32 $0x1, s4;
	s6 =	sand.u32 @!p1 $0x7, s6;
	s7 =	sadd.s32 @!p1 s1, s7  }
0x119: {  	[hbm4b:s7+s6] =	stream.linear.scatter @!p1 [tilespmem:s3], [sflag:$0x5], $0x1, $0x38;
	[tilespmem:$0x1320] =	vst v63  }
.LBB2_26:
0x11a: {  	s0 =	sadd.s32 s0, s5  }
0x11b: {  	s0 =	sshrl.u32 s0, $0x2  }
.LBB2_27:
0x11c: {  	s1 =	simm.s32 $0x5  }
0x11d: {  	_ =	swait.ge [sflag:s1], s0  }
0x11e: {  	s28 =	ssub.s32 $0x0, s0;
	[sflag:s1] =	ssyncset.done $0x0  }
0x11f: {  	[sflag:s1] =	ssyncadd.s32 s28  }
0x120: {  	[sflag:s1] =	ssyncpa.u1 $0x1  }
0x121: {  	s29 =	simm.s32 $0x1;
	_ =	sfence  }
0x122: {  	s30 =	simm.s32 $0x2;
	[sflag:s29] =	ssyncpa.u1 $0x1  }
0x123: {  	[sflag:s30] =	ssyncpa.u1 $0x1  }
0x124: {  	_ =	strace $0x9000004A  }
0x125: {  	[bflag:$0x2] =	sbarrier.arrive $0xFFFF  }
0x126: {  	s31 =	rddreg [dreg:$0x2]  }
0x127: {  	s0 =	sadd.s32 $0x100000, s31  }
0x128: {  	[sflag:s0] =	ssyncadd.tile.s32 $0x1;
	_ =	shalt  }
.Lfunc_end2:
_tile_overlayer_lowered:
.L_overlay_start_2:
0x129: {  	(tag) =	ssettag $0x2  }
0x12a: {  	s0 =	rddreg [dreg:$0x0];
	s2 =	stileid.u32  }
0x12b: {  	s1 =	rddreg [dreg:$0x1];
	p0 =	sne.s32 s2, $0x0  }
0x12c: {  	s3 =	rddreg [dreg:$0x2];
	[bflag:$0x3] =	sbarrier.arrive $0xFFFF;
	s2 =	simm.s32 @!p0 $0x1C01  }
0x12d: {  	[timem:s3], [sflag:s2] =	dma.local @!p0 [hbm:s0], s1  }
0x12e: {  	s0 =	simm.s32 @!p0 $0x1  }
0x12f: {  	_ =	swait.ge @!p0 [sflag:s0], s1  }
0x130: {  	s1 =	ssub.s32 @!p0 $0x0, s1;
	[sflag:s0] =	ssyncset.done @!p0 $0x0  }
0x131: {  	[sflag:s0] =	ssyncadd.s32 @!p0 s1  }
0x132: {  	[bflag:$0x3] =	sbarrier.arrive $0xFFFF  }
0x133: {  	_ =	shalt  }

// kernel: scatter_offload_async_start
scs
__scs_entry_jumppad:
0x0: {  	(pc) =	sbr.rel $0x88, $3  }
0x1: {  	(tag) =	ssettag $0x0;
	lr =	simm.s32 $0x1  }
0x2: {  	[smem:$0x3F95] =	sst lr;
	_ =	strace $0xD0000000  }
0x3: {  	_ = 	snop  }
0x4: {  	_ = 	snop  }
0x5: {  	_ = 	snop  }
0x6: {  	_ = 	snop  }
0x7: {  	_ = 	snop  }
__scs_overlays_trampoline_lowered:
0x8: {  	[smem:$0x3FA4] =	sst s0  }
0x9: {  	[smem:$0x3FA5] =	sst s1  }
0xa: {  	[smem:$0x3FA6] =	sst s2  }
0xb: {  	[smem:$0x3FA7] =	sst s3  }
0xc: {  	[smem:$0x3FA8] =	sst s4  }
0xd: {  	[smem:$0x3FA9] =	sst s5  }
0xe: {  	[smem:$0x3FAA] =	sst s6  }
0xf: {  	[smem:$0x3FAB] =	sst s7  }
0x10: {  	[smem:$0x3FAC] =	sst s8  }
0x11: {  	[smem:$0x3FAD] =	sst s9;
	s0 =	simm.s32 @!p0 $0x0  }
0x12: {  	s1 =	sld [smem:$0x3F93];
	s0 =	simm.s32 @p0 $0x1  }
0x13: {  	[smem:$0x3FAE] =	sst s0;
	s0 =	simm.s32 @!p1 $0x0  }
0x14: {  	s2 =	sld [smem:$0x3F92];
	s0 =	simm.s32 @p1 $0x1  }
0x15: {  	[smem:$0x3FAF] =	sst s0;
	s0 =	simm.s32 @!p2 $0x0  }
0x16: {  	s3 =	sld [smem:$0x3FDB];
	s0 =	simm.s32 @p2 $0x1  }
0x17: {  	s4 =	simm.s32 $0x1BF5;
	[smem:$0x3FB1] =	sst s0  }
0x18: {  	s0 =	sld [smem:$0x3F94];
	_ =	swait.ge [sflag:s4], $0x0  }
0x19: {  	s7 =	sld [smem:$0x3F95]  }
0x1a: {  	s8 =	sadd.s32 $0xFFFFE003, lr  }
0x1b: {  	s9 =	sadd.s32 $0xFFFFFEF7, lr;
	s5 =	simm.s32 $0xFFFFFFFF;
	p2 =	slt.u32 s8, $0xFFFFF086  }
0x1c: {  	p1 =	slt.u32 s9, $0xF7A;
	s5 =	simm.s32 @!p2 $0x0  }
0x1d: {  	s5 =	simm.s32 @p1 $0x1;
	p0 =	seq.s32 s7, s2  }
0x1e: {  	s7 =	smul.u32 @!p0 $0xF7A, s2;
	p2 =	seq.s32 @!p0 s5, $0x0  }
0x1f: {  	s9 =	smul.u32 $0xF7A, s1;
	s8 =	simm.s32 @!p0 $0x1BF5;
	p2 =	por !p2, p0  }
0x20: {  	[sflag:s8] =	ssyncset.s32 @!p0 $0xFFFFF086;
	s6 =	sadd.s32 @!p0 s3, s7;
	s7 =	simm.s32 @!p0 $0x108  }
0x21: {  	s3 =	sadd.s32 s3, s9;
	s6 =	sadd.s32 @!p0 $0x88, s6;
	s7 =	simm.s32 @p2 $0x1082  }
0x22: {  	[simem:s7], [sflag:s8] =	dma.local @!p0 [hbm:s6], $0xF7A  }
0x23: {  	s9 =	sor.u32 $0xD0000000, s2;
	s6 =	simm.s32 $0x108;
	_ =	swait.ge @!p0 [sflag:s8], $0x0  }
0x24: {  	s3 =	sadd.s32 $0x88, s3;
	s6 =	simm.s32 @!p1 $0x1082;
	[sflag:s4] =	ssyncset.s32 $0xFFFFF086  }
0x25: {  	[simem:s6], [sflag:s4] =	dma.local [hbm:s3], $0xF7A  }
0x26: {  	[smem:$0x3F95] =	sst s1;
	(tag) =	ssettag s2;
	_ =	strace s9  }
0x27: {  	s1 =	sld [smem:$0x3FA5]  }
0x28: {  	s2 =	sld [smem:$0x3FA6]  }
0x29: {  	s4 =	sld [smem:$0x3FA8]  }
0x2a: {  	p0 =	seq.s32 s5, $0x0;
	s5 =	sld [smem:$0x3FA9]  }
0x2b: {  	s6 =	sld [smem:$0x3FAA]  }
0x2c: {  	s7 =	sld [smem:$0x3FAB]  }
0x2d: {  	s3 =	simm.s32 $0x108;
	s8 =	sld [smem:$0x3FAC]  }
0x2e: {  	s3 =	simm.s32 @!p0 $0x1082;
	s9 =	sld [smem:$0x3FAD]  }
0x2f: {  	lr =	sadd.s32 s0, s3;
	s0 =	sld [smem:$0x3FA4]  }
0x30: {  	s3 =	sld [smem:$0x3FA7]  }
0x31: {  	[smem:$0x3FB0] =	sst s10  }
0x32: {  	s10 =	sld [smem:$0x3FAE];
	_ =	sdelay $0x3  }
0x33: {  	p0 =	seq.s32 s10, $0x1;
	s10 =	sld [smem:$0x3FB0];
	_ =	sdelay $0x3  }
0x34: {  	[smem:$0x3FB0] =	sst s10  }
0x35: {  	s10 =	sld [smem:$0x3FAF];
	_ =	sdelay $0x3  }
0x36: {  	p1 =	seq.s32 s10, $0x1;
	s10 =	sld [smem:$0x3FB0];
	_ =	sdelay $0x3  }
0x37: {  	[smem:$0x3FB0] =	sst s10  }
0x38: {  	s10 =	sld [smem:$0x3FB1]  }
0x39: {  	_ = 	snop;
	(pc) =	sbr.ind lr, $3  }
0x3a: {  	_ = 	snop  }
0x3b: {  	_ = 	snop  }
0x3c: {  	p2 =	seq.s32 s10, $0x1;
	s10 =	sld [smem:$0x3FB0]  }
0x3d: {  	_ =	shalt  }
0x3e: {  	_ =	shalt  }
0x3f: {  	_ =	shalt  }
0x40: {  	_ =	shalt  }
0x41: {  	_ =	shalt  }
0x42: {  	_ =	shalt  }
0x43: {  	_ =	shalt  }
0x44: {  	_ =	shalt  }
0x45: {  	_ =	shalt  }
0x46: {  	_ =	shalt  }
0x47: {  	_ =	shalt  }
0x48: {  	_ =	shalt  }
0x49: {  	_ =	shalt  }
0x4a: {  	_ =	shalt  }
0x4b: {  	_ =	shalt  }
0x4c: {  	_ =	shalt  }
0x4d: {  	_ =	shalt  }
0x4e: {  	_ =	shalt  }
0x4f: {  	_ =	shalt  }
0x50: {  	_ =	shalt  }
0x51: {  	_ =	shalt  }
0x52: {  	_ =	shalt  }
0x53: {  	_ =	shalt  }
0x54: {  	_ =	shalt  }
0x55: {  	_ =	shalt  }
0x56: {  	_ =	shalt  }
0x57: {  	_ =	shalt  }
0x58: {  	_ =	shalt  }
0x59: {  	_ =	shalt  }
0x5a: {  	_ =	shalt  }
0x5b: {  	_ =	shalt  }
0x5c: {  	_ =	shalt  }
0x5d: {  	_ =	shalt  }
0x5e: {  	_ =	shalt  }
0x5f: {  	_ =	shalt  }
0x60: {  	_ =	shalt  }
0x61: {  	_ =	shalt  }
0x62: {  	_ =	shalt  }
0x63: {  	_ =	shalt  }
0x64: {  	_ =	shalt  }
0x65: {  	_ =	shalt  }
0x66: {  	_ =	shalt  }
0x67: {  	_ =	shalt  }
0x68: {  	_ =	shalt  }
0x69: {  	_ =	shalt  }
0x6a: {  	_ =	shalt  }
0x6b: {  	_ =	shalt  }
0x6c: {  	_ =	shalt  }
0x6d: {  	_ =	shalt  }
0x6e: {  	_ =	shalt  }
0x6f: {  	_ =	shalt  }
0x70: {  	_ =	shalt  }
0x71: {  	_ =	shalt  }
0x72: {  	_ =	shalt  }
0x73: {  	_ =	shalt  }
0x74: {  	_ =	shalt  }
0x75: {  	_ =	shalt  }
0x76: {  	_ =	shalt  }
0x77: {  	_ =	shalt  }
0x78: {  	_ =	shalt  }
0x79: {  	_ =	shalt  }
0x7a: {  	_ =	shalt  }
0x7b: {  	_ =	shalt  }
0x7c: {  	_ =	shalt  }
0x7d: {  	_ =	shalt  }
0x7e: {  	_ =	shalt  }
0x7f: {  	_ =	shalt  }
0x80: {  	_ =	shalt  }
0x81: {  	_ =	shalt  }
0x82: {  	_ =	shalt  }
0x83: {  	_ =	shalt  }
0x84: {  	_ =	shalt  }
0x85: {  	_ =	shalt  }
0x86: {  	_ =	shalt  }
0x87: {  	_ =	shalt  }
.Lfunc_end0:
.L_simem_size_0:
called_computation_lowered:
.L_overlay_start_0:
0x88: {  	s0 =	sld [smem:$0x3FD9]  }
0x89: {  	s1 =	sld [smem:$0x3FFE];
	_ =	sdelay $0x3  }
0x8a: {  	s0 =	sadd.s32 s1, s0  }
0x8b: {  	[smem:$0x3FBC] =	sst s0  }
0x8c: {  	_ = 	snop  }
0x8d: {  	s0 =	sld [smem:$0x3FD0];
	_ =	sdelay $0x2  }
0x8e: {  	s13 =	simm.s32 $0xA;
	s2 =	simm.s32 $0x10  }
0x8f: {  	[smem:s2], [sflag:s13] =	dma.local [hbm:s0], $0x1  }
0x90: {  	_ =	swait.eq [sflag:s13], $0x1  }
0x91: {  	[sflag:s13] =	ssyncset.done $0x0  }
0x92: {  	s14 =	sld [smem:$0x10];
	[sflag:s13] =	ssyncadd.s32 $0xFFFFFFFF  }
0x93: {  	s15 =	sld [smem:$0x13];
	(tm) =	ssettm $0x1  }
0x94: {  	s16 =	sld [smem:$0x3FFB];
	_ =	sdelay $0x3  }
0x95: {  	_ =	strace s16  }
0x96: {  	s2 =	sld [smem:$0x3FFC];
	_ =	sdelay $0x3  }
0x97: {  	_ =	strace s2  }
0x98: {  	s2 =	sld [smem:$0x3FFD];
	_ =	sdelay $0x3  }
0x99: {  	_ =	strace s2  }
0x9a: {  	_ =	strace $0x8FFFFFFF  }
0x9b: {  	s17 =	sld [smem:$0x3FDB];
	_ =	sdelay $0x1  }
0x9c: {  	s3 =	simm.s32 $_scs_section_size  }
0x9d: {  	s4 =	simm.s32 $_size__tile_overlayer_lowered;
	s5 =	simm.s32 $_tile_overlayer_lowered  }
0x9e: {  	s20 =	simm.s32 $0x1BFF;
	s19 =	sshll.u32 s5, $0x1;
	s2 =	sadd.s32 s3, s17  }
0x9f: {  	s6 =	simm.s32 $0x0;
	s18 =	sshll.u32 s4, $0x1;
	s4 =	sadd.s32 s19, s2  }
0xa0: {  	[timem:s6], [sflag:s20] =	dma.local [hbm:s4], s18  }
0xa1: {  	_ =	swait.ge [sflag:s20], s18  }
0xa2: {  	s3 =	ssub.s32 $0x0, s18;
	[sflag:s20] =	ssyncset.done $0x0  }
0xa3: {  	[sflag:s20] =	ssyncadd.s32 s3;
	_ =	sdelay $0x1  }
0xa4: {  	s21 =	simm.s32 $0x1B8B  }
0xa5: {  	_ =	swait.ge [sflag:s21], $0x1  }
0xa6: {  	[sflag:s21] =	ssyncset.done $0x0  }
0xa7: {  	s23 =	simm.s32 $0x1B8E;
	s22 =	sld [smem:$0x3FFE];
	[sflag:s21] =	ssyncadd.s32 $0xFFFFFFFF  }
0xa8: {  	s24 =	simm.s32 $execute0_lowered;
	[smem:$0x3FD2] =	sst s23  }
0xa9: {  	s4 =	sshll.u32 s24, $0x1;
	_ =	strace $0x80000046;
	[dreg:$0x1] =	wrdreg $0xFFFFFFFF  }
0xaa: {  	s25 =	simm.s32 $_size_execute0_lowered;
	s2 =	sadd.s32 s2, s4;
	[dreg:$0x0] =	wrdreg $0x0  }
0xab: {  	s4 =	sshll.u32 s25, $0x1;
	[dreg:$0x2] =	wrdreg s2  }
0xac: {  	[dreg:$0x3] =	wrdreg s4  }
0xad: {  	[dreg:$0x4] =	wrdreg $0xC0  }
0xae: {  	_ =	task [dreg:s6], $0x5FFFF  }
0xaf: {  	[dreg:$0x1] =	wrdreg $0xFFFFFFFF  }
0xb0: {  	[dreg:$0x0] =	wrdreg $0x60  }
0xb1: {  	[dreg:$0x2] =	wrdreg s15  }
0xb2: {  	[dreg:$0x3] =	wrdreg s14  }
0xb3: {  	[dreg:$0x4] =	wrdreg s22  }
0xb4: {  	[dreg:$0x5] =	wrdreg $0x9  }
0xb5: {  	_ =	task.clear_ibuf [dreg:s6], $0x6FFFF;
	_ =	strace $0x90000046  }
0xb6: {  	s26 =	simm.s32 $0x9;
	_ =	strace $0x80000048  }
0xb7: {  	_ =	swait.ge [sflag:s26], $0x1  }
0xb8: {  	[sflag:s26] =	ssyncadd.s32 $0xFFFFFFFF  }
0xb9: {  	_ =	strace $0x90000048  }
0xba: {  	_ =	sfence  }
0xbb: {  	s28 =	sld [smem:$0x0];
	_ =	sdelay $0x1  }
0xbc: {  	s29 =	srdreg.scid  }
0xbd: {  	s30 =	sshll.u32 s29, $0xD;
	s31 =	sshrl.u32 s29, $0x2  }
0xbe: {  	s1 =	sand.u32 $0x1, s29;
	s2 =	sand.u32 $0x4000, s30;
	s0 =	sadd.s32 s31, s28  }
0xbf: {  	s1 =	sor.u32 s2, s1;
	s0 =	sshll.u32 s0, $0x11  }
0xc0: {  	s0 =	sor.u32 s0, s1  }
0xc1: {  	s0 =	sadd.s32 $0x8F2B, s0  }
0xc2: {  	[sflag:s0] =	ssyncadd.remote.s32 $0x1  }
0xc3: {  	_ =	sfence.sel $0xFFFF  }
0xc4: {  	[dreg:$0x0] =	wrdreg $0xFFFFFFFF;
	(pc) =	sbr.abs _section_cstart, $3  }
0xc5: {  	[dreg:$0x1] =	wrdreg $0xFFFFFFFF  }
0xc6: {  	_ =	task.clear_ibuf [dreg:s6], $0x2FFFF;
	_ =	strace $0x9FFFFFFF  }
0xc7: {  	(tm) =	ssettm $0x7FFFFFFF  }
tec
execute0_lowered:
.L_overlay_start_1:
0x0: {  	(tag) =	ssettag $0x1  }
0x1: {  	s1 =	rddreg [dreg:$0x0]  }
0x2: {  	s0 =	rddreg [dreg:$0x2];
	_ =	strace $0x80000047;
	s4 =	simm.s32 $0x1  }
0x3: {  	v1 =	vimm.s32 $0xFFFFFFFF;
	[sflag:s4] =	ssyncpa.u1 $0x0  }
0x4: {  	[tilespmem:$0x10] =	vst v1  }
0x5: {  	v0 =	vimm.s32 $0x80000000;
	[tilespmem:$0x20] =	vst v1  }
0x6: {  	[tilespmem:$0x30] =	vst v0  }
0x7: {  	s2 =	simm.s32 $0x2;
	[tilespmem:$0x40] =	vst v0  }
0x8: {  	s6 =	simm.s32 $0x7;
	s26 =	stileid.u32;
	s7 =	simm.s32 $0x8;
	[tilespmem:$0x50] =	vst v0  }
0x9: {  	s31 =	simm.s32 $0x9;
	s14 =	simm.s32 $0x0;
	s15 =	simm.s32 $0x100;
	[tilespmem:$0x60] =	vst v1  }
0xa: {  	s18 =	simm.s32 $0x10;
	s19 =	simm.s32 $0x1300;
	s20 =	simm.s32 $0xF;
	[tilespmem:$0x70] =	vst v1  }
0xb: {  	s21 =	simm.s32 $0x50;
	s22 =	simm.s32 $0x8FF;
	s23 =	simm.s32 $0x20;
	[tilespmem:$0x80] =	vst v1  }
0xc: {  	s24 =	simm.s32 $0x30;
	s25 =	simm.s32 $0x10FF;
	s30 =	simm.s32 $0x0;
	v1 =	vimm.s32 $0x0;
	[tilespmem:$0xB0] =	vst v0  }
.Ltmp0:
0xd: {  	s29 =	simm.s32 $0x0;
	s5 =	sadd.s32 $0x800, s0;
	[tilespmem:$0x90] =	vst v1;
	(pc) =	sbr.rel .LBB2_1-.Ltmp0, $4  }
0xe: {  	s8 =	sshll.u32 s26, $0x9;
	s10 =	sshll.u32 s26, $0x1;
	[tilespmem:$0xA0] =	vst v1;
	[sflag:s2] =	ssyncpa.u1 $0x0  }
0xf: {  	s12 =	sshllo.u32 s26, $0x1;
	s26 =	simm.s32 $0x80;
	[sflag:s6] =	ssyncpa.u1 $0x0  }
0x10: {  	vm0 =	vmmov $0xffff;
	v2 =	vlaneseq.u32;
	s9 =	sadd.s32 $0x200, s8;
	s11 =	sor.u32 $0x81, s10;
	[sflag:s7] =	ssyncpa.u1 $0x0  }
0x11: {  	vm1 =	vmxor vm1, vm1;
	vm2 =	vmmov $0x1;
	vm3 =	vcmask $0x3F3C;
	s13 =	sor.u32 $0x80, s10;
	s28 =	smov.u32 s8;
	[sflag:s31] =	ssyncpa.u1 $0x0  }
.LBB2_3:
0x12: {  	s0 =	sshrl.u32 s28, $0x3;
	s2 =	rddreg [dreg:$0x1]  }
0x13: {  	s31 =	sand.u32 $0x7, s28;
	s0 =	sadd.s32 s2, s0  }
0x14: {  	[tilespmem:s15], [sflag:$0x7] =	stream.linear.gather [hbm4b:s0+s31], $0x200, $0x38;
	[tilespmem:$0x1320] =	vst v63  }
.LBB2_4:
0x15: {  	s0 =	sadd.s32 $0x200, s28  }
0x16: {  	s2 =	smov.u32 s8;
	s29 =	sadd.s32 $0x1, s29;
	p0 =	slt.s32 s0, s9  }
0x17: {  	s2 =	smov.u32 @p0 s0;
	p0 =	sne.s32 s29, $0x4  }
.Ltmp1:
0x18: {  	_ = 	snop;
	(pc) =	sbr.rel @!p0 .LBB2_13-.Ltmp1, $2  }
0x19: {  	_ =	sdelay $0x2  }
0x1a: {  	s30 =	smov.u32 s28;
	s28 =	smov.u32 s2  }
.LBB2_1:
0x1b: {  	p0 =	sgt.s32 s29, $0x1  }
.Ltmp2:
0x1c: {  	_ = 	snop;
	(pc) =	sbr.rel @p0 .LBB2_11-.Ltmp2, $1  }
0x1d: {  	_ =	sdelay $0x3  }
0x1e: {  	p0 =	seq.s32 s29, $0x0  }
.Ltmp3:
0x1f: {  	_ = 	snop;
	(pc) =	sbr.rel @p0 .LBB2_3-.Ltmp3, $1  }
0x20: {  	_ =	sdelay $0x3  }
0x21: {  	_ =	swait.ge [sflag:s6], $0x200  }
0x22: {  	[sflag:s6] =	ssyncset.done $0x0  }
0x23: {  	[sflag:s6] =	ssyncadd.s32 $0xFFFFFE00;
	(ifvalue) =	ssetifvalue $0xFFFFFFFF;
	v3 =	vld.msk [tilespmem:s15+$0x0 ss:$0x1], $0xffff;
	_ =	sdelay $0x4  }
0x24: {  	v4 =	vperm.xlane v3, v1  }
0x25: {  	vm4 =	vlt.u32 v3, $0x2000  }
0x26: {  	v3 =	vnsel vm4, $0xFFFFFFFE, v3;
	vm4 =	vlt.u32 v4, $0x2000  }
0x27: {  	[tilespmem:$0x70] =	vst v3;
	v3 =	vnsel vm4, $0xFFFFFFFE, v4  }
0x28: {  	s16 =	simm.s32 $0x2F0;
	[tilespmem:$0x80] =	vst v3  }
0x29: {  	v3 =	vld.msk [tilespmem:s16+$0x0 ss:$0x1], $0xffff;
	_ =	sdelay $0x4  }
0x2a: {  	(xrf1) =	vunique.msk.u32 $0xffff, v3;
	_ =	sdelay $0xd  }
0x2b: {  	v4 =	vimm.s32 $0xFFFFFFFF;
	v5, _, _ =	vpop (xrf1)  }
0x2c: {  	vm5 =	vne.s32 v3, v4;
	vm4 =	veq.s32 v5, v2  }
0x2d: {  	vm6 =	vlt.u32 v3, $0x2000;
	vm4 =	vmand vm5, vm4  }
0x2e: {  	vm4 =	vmand vm6, vm4  }
0x2f: {  	v4 =	vnsel vm4, $0xFFFFFFFF, v3;
	_ =	sdelay $0x3  }
0x30: {  	s0 =	simm.s32 $0x8F0;
	(ifvalue) =	ssetifvalue $0xFFFFFFFF  }
0x31: {  	v3 =	vperm.xlane v3, v1;
	[tilespmem:s0], [sflag:$0x8] =	stream.indirect_vreg.gather [hbm4b:s1+s14], $0x1, v4, vm0, $0x4038;
	v4 =	vnsel vm6, $0xFFFFFFFE, v4;
	[tilespmem:$0x1320] =	vst v63  }
0x32: {  	s2 =	simm.s32 $0x0;
	s3 =	simm.s32 $0x2E0;
	[tilespmem:s16+$0x0] =	vst v4  }
.LBB2_6:
0x33: {  	v4 =	vld.msk [tilespmem:s3+$0x0 ss:$0x1], $0xffff;
	s2 =	sadd.s32 $0x10, s2;
	v5 =	vmov v3;
	s16 =	smov.u32 s3  }
0x34: {  	p0 =	slt.u32 s2, $0x1F0;
	_ =	sdelay $0x4  }
0x35: {  	v3 =	vperm.xlane v4, v1;
	(xrf1) =	vunique.msk.u32 $0xffff, v4;
	_ =	sdelay $0xd  }
0x36: {  	v6, _, _ =	vpop (xrf1)  }
0x37: {  	vm5 =	vne.s32 v4, v5;
	vm4 =	veq.s32 v6, v2  }
0x38: {  	vm6 =	vlt.u32 v4, $0x2000;
	vm4 =	vmand vm5, vm4  }
0x39: {  	vm4 =	vmand vm6, vm4  }
0x3a: {  	v4 =	vnsel vm4, $0xFFFFFFFF, v4  }
.Ltmp4:
0x3b: {  	v5 =	vnsel vm6, $0xFFFFFFFE, v4;
	(pc) =	sbr.rel @p0 .LBB2_6-.Ltmp4, $3  }
0x3c: {  	_ =	sdelay $0x1  }
0x3d: {  	s3 =	sadd.s32 $0xFFFFFFF0, s3;
	s0 =	sadd.s32 $0xFFFFFFF0, s0;
	(ifvalue) =	ssetifvalue $0xFFFFFFFF  }
0x3e: {  	[tilespmem:s0], [sflag:$0x8] =	stream.indirect_vreg.gather [hbm4b:s1+s14], $0x1, v4, vm0, $0x4038;
	[tilespmem:s16+$0x0] =	vst v5  }
.Ltmp5:
0x3f: {  	(pc) =	sbr.rel .LBB2_4-.Ltmp5, $4  }
0x40: {  	_ = 	snop  }
0x41: {  	s0 =	sshrl.u32 s30, $0x3  }
0x42: {  	s2 =	simm.s32 $0xB00;
	s0 =	sadd.s32 s5, s0  }
0x43: {  	[tilespmem:s2], [sflag:$0x8] =	stream.linear.gather [hbm:s0], $0x200, $0x38;
	[tilespmem:$0x1320] =	vst v63  }
.LBB2_11:
0x44: {  	p0 =	seq.s32 s29, $0x2  }
.Ltmp6:
0x45: {  	_ = 	snop;
	(pc) =	sbr.rel @!p0 .LBB2_12-.Ltmp6, $1  }
0x46: {  	_ =	sdelay $0x3  }
0x47: {  	_ =	swait.ge [sflag:s7], $0x400  }
0x48: {  	[sflag:s7] =	ssyncset.done $0x0  }
0x49: {  	s0 =	simm.s32 $0x2FF;
	[sflag:s7] =	ssyncadd.s32 $0xFFFFFC00  }
0x4a: {  	[spmem:s11] =	stream.linear.scatter [tilespmem:s0], [sflag:$0x1], $0x1, $0x38;
	[tilespmem:$0x1320] =	vst v63  }
0x4b: {  	_ =	swait.ge [sflag:s4], $0x1  }
0x4c: {  	[sflag:s4] =	ssyncset.done $0x0  }
0x4d: {  	[sflag:s4] =	ssyncadd.s32 $0xFFFFFFFF  }
0x4e: {  	v4 =	vld [tilespmem:$0x10]  }
0x4f: {  	v5 =	vld [tilespmem:$0x70]  }
0x50: {  	v3 =	vld [tilespmem:$0x80];
	_ =	sdelay $0x2  }
0x51: {  	(v2sf) =	vpush v4, $0x0  }
0x52: {  	(v2sf) =	vpush v5, $0x0  }
0x53: {  	(v2sf) =	vpush v3, $0x0;
	_ =	sdelay $0xc  }
0x54: {  	s17 =	spop (v2sf)  }
0x55: {  	s2 =	spop (v2sf)  }
0x56: {  	s30 =	spop (v2sf)  }
0x57: {  	p0 =	seq.s32 s17, s2;
	p1 =	seq.s32 s30, s17  }
0x58: {  	p1 =	por p0, p1  }
0x59: {  	v4 =	vpsel p1, $0xFFFFFFFF, v4  }
0x5a: {  	[tilespmem:s18+$0x0] =	vst.msk $0x1, v4  }
0x5b: {  	v4 =	vld [tilespmem:$0x30]  }
0x5c: {  	v5 =	vld [tilespmem:$0xB00]  }
0x5d: {  	v6 =	vld [tilespmem:$0x40];
	_ =	sdelay $0x3  }
0x5e: {  	vm4 =	vmmov vm1;
	vm6 =	vmmov vm2;
	vm5 =	vgt.s32 v4, v5  }
0x5f: {  	s3 =	simm.s32 $0xB00;
	vm4 =	vmmov @p0 vm2;
	v5 =	vsel vm5, v4, v5;
	vm5 =	vgt.s32 v4, v6  }
0x60: {  	vm6 =	vmmov @p1 vm1;
	v4 =	vsel vm5, v4, v6;
	[tilespmem:s3+$0x0] =	vst.msk vm4, v5  }
0x61: {  	[tilespmem:s19+$0x0] =	vst.msk vm6, v4  }
0x62: {  	v4 =	vld [tilespmem:$0x8F0];
	_ =	sdelay $0x4  }
0x63: {  	v4 =	vshift.insert v4, v1, s20;
	_ =	sdelay $0x1  }
0x64: {  	v5 =	vimm.s32 $0x80000000;
	[tilespmem:s21+$0x0] =	vst.msk $0x1, v4  }
0x65: {  	[tilespmem:s22+$0x0] =	vst.msk $0x1, v5  }
0x66: {  	v4 =	vld [tilespmem:$0x2F0];
	_ =	sdelay $0x4  }
0x67: {  	v4 =	vshift.insert v4, v1, s20;
	_ =	sdelay $0x1  }
0x68: {  	[tilespmem:s23+$0x0] =	vst.msk $0x1, v4  }
0x69: {  	v6 =	vld [tilespmem:s3+$0x0]  }
0x6a: {  	s16 =	simm.s32 $0x100  }
0x6b: {  	v7 =	vld [tilespmem:s16+$0x0];
	_ =	sdelay $0x2  }
0x6c: {  	vm4 =	vgt.s32 v6, v5  }
0x6d: {  	v5 =	vsel vm4, v6, v5  }
0x6e: {  	vm4 =	vne.s32 v7, $0xFFFFFFFF;
	v5 =	vxor.u32 $0x80000000, v5  }
0x6f: {  	(xrf0) =	vmax.seg.scan.u32 vm4, v5  }
0x70: {  	s17 =	simm.s32 $0x700  }
0x71: {  	v8 =	vld [tilespmem:s17+$0x0]  }
0x72: {  	v6 =	vld [tilespmem:$0xA0];
	_ =	sdelay $0x2  }
0x73: {  	v5 =	vperm.xlane v4, v1;
	v9, _, _ =	vpop (xrf0)  }
0x74: {  	vm6 =	veq.s32 v7, v3;
	v9 =	vxor.u32 $0x80000000, v9  }
0x75: {  	vm8 =	veq.s32 v7, v5;
	vm5 =	veq.s32 v6, $0x1;
	vm7 =	vgt.s32 v9, v8  }
0x76: {  	vm8 =	vmor vm8, vm6;
	v6 =	vsel vm7, v9, v8;
	vm7 =	vgt.u32 v7, $0xFFFFFFFD  }
0x77: {  	v10 =	vld [tilespmem:$0x90];
	vm9 =	vmand vm4, vm3;
	vm4 =	vmor vm5, vm6;
	vm5 =	vmor vm8, vm7  }
0x78: {  	v8 =	vsel vm5, $0xFFFFFFFF, v7;
	_ =	sdelay $0x1  }
0x79: {  	s31 =	simm.s32 $0xF00  }
0x7a: {  	s0 =	simm.s32 $0x0;
	s2 =	simm.s32 $0xB10;
	s3 =	simm.s32 $0x110;
	v11 =	vsel vm9, $0x80000000, v9;
	v6 =	vsel vm6, v9, v6  }
0x7b: {  	s16 =	simm.s32 $0xF10;
	s17 =	simm.s32 $0x710;
	[tilespmem:s31+$0x0] =	vst v6;
	v6 =	vsel vm6, v9, v10;
	v7 =	vshift.insert v11, v0, s20;
	(ifvalue) =	ssetifvalue $0xFFFFFFFF  }
.LBB2_9:
0x7c: {  	[hbm4b:s1+s14] =	stream.indirect_vreg.scatter [tilespmem:s31], [sflag:$0x2], $0x1, v8, vm0, $0x4038;
	[tilespmem:$0x1320] =	vst v63  }
0x7d: {  	s0 =	sadd.s32 $0x10, s0;
	s31 =	smov.u32 s16;
	v8 =	vld [tilespmem:s2+$0x0]  }
0x7e: {  	p0 =	slt.u32 s0, $0x1F0  }
0x7f: {  	v9 =	vld [tilespmem:s3+$0x0];
	_ =	sdelay $0x2  }
0x80: {  	vm5 =	vgt.s32 v8, v7  }
0x81: {  	v7 =	vsel vm5, v8, v7  }
0x82: {  	vm5 =	vne.s32 v9, $0xFFFFFFFF;
	v7 =	vxor.u32 $0x80000000, v7  }
0x83: {  	(xrf0) =	vmax.seg.scan.u32 vm5, v7;
	_ =	sdelay $0x2  }
0x84: {  	v7 =	vld [tilespmem:s17+$0x0];
	_ =	sdelay $0x1  }
0x85: {  	vm6 =	veq.s32 v9, v3;
	vm7 =	veq.s32 v9, v5  }
0x86: {  	vm8 =	vgt.u32 v9, $0xFFFFFFFD;
	vm4 =	vmor vm4, vm6;
	vm7 =	vmor vm7, vm6;
	v8, _, _ =	vpop (xrf0)  }
0x87: {  	vm5 =	vmand vm5, vm3;
	vm7 =	vmor vm7, vm8;
	v10 =	vxor.u32 $0x80000000, v8  }
.Ltmp7:
0x88: {  	v8 =	vsel vm7, $0xFFFFFFFF, v9;
	vm7 =	vgt.s32 v10, v7;
	v9 =	vsel vm5, $0x80000000, v10;
	(pc) =	sbr.rel @p0 .LBB2_9-.Ltmp7, $4  }
0x89: {  	v6 =	vsel vm6, v10, v6;
	v11 =	vsel vm7, v10, v7;
	v7 =	vshift.insert v9, v0, s20  }
0x8a: {  	v9 =	vsel vm6, v10, v11  }
0x8b: {  	s2 =	sadd.s32 $0x10, s2;
	s3 =	sadd.s32 $0x10, s3;
	[tilespmem:s16+$0x0] =	vst v9  }
0x8c: {  	s17 =	sadd.s32 $0x10, s17;
	s16 =	sadd.s32 $0x10, s16;
	(ifvalue) =	ssetifvalue $0xFFFFFFFF  }
0x8d: {  	_ =	sdelay $0x3  }
0x8e: {  	[hbm4b:s1+s14] =	stream.indirect_vreg.scatter [tilespmem:s31], [sflag:$0x2], $0x1, v8, vm0, $0x4038;
	[tilespmem:$0x1320] =	vst v63  }
0x8f: {  	v3 =	vld [tilespmem:$0x10F0];
	_ =	sdelay $0x4  }
0x90: {  	v3 =	vshift.insert v3, v1, s20;
	_ =	sdelay $0x1  }
0x91: {  	[tilespmem:s24+$0x0] =	vst.msk $0x1, v3  }
0x92: {  	v3 =	vsel vm4, $0x1, v1;
	[tilespmem:$0x90] =	vst v6  }
0x93: {  	[tilespmem:$0xA0] =	vst v3  }
0x94: {  	[spmem:s12] =	stream.linear.scatter [tilespmem:s25], [sflag:$0x1], $0x1, $0x38;
	[tilespmem:$0x1320] =	vst v63  }
0x95: {  	v3 =	vmctz.xlane vm4;
	_ =	swait.ge [sflag:s4], $0x1  }
0x96: {  	(v2sf) =	vpush v4, $0x0  }
0x97: {  	(v2sf) =	vpush v3, $0x0;
	_ =	sdelay $0xd  }
0x98: {  	s0 =	spop (v2sf)  }
0x99: {  	s2 =	spop (v2sf)  }
0x9a: {  	[sflag:s4] =	ssyncset.done $0x0;
	p0 =	sne.s32 s30, s0;
	p1 =	slt.s32 s2, $0xF  }
0x9b: {  	[sflag:s4] =	ssyncadd.s32 $0xFFFFFFFF;
	v3 =	vimm.s32 @!p0 $0xFFFFFFFF;
	s2 =	simm.s32 @!p1 $0xF  }
0x9c: {  	[tilespmem:$0x80] =	vst @!p0 v3;
	s31 =	sadd.s32 $0x90, s2  }
0x9d: {  	[spmem:s10] =	stream.linear.scatter [tilespmem:s31], [sflag:$0x1], $0x1, $0x38;
	[tilespmem:$0x1320] =	vst v63  }
0x9e: {  	_ =	swait.ge [sflag:s4], $0x1  }
0x9f: {  	[sflag:s4] =	ssyncset.done $0x0  }
0xa0: {  	[sflag:s4] =	ssyncadd.s32 $0xFFFFFFFF  }
0xa1: {  	[spmem:s13] =	stream.linear.scatter [tilespmem:s26], [sflag:$0x1], $0x1, $0x38;
	[tilespmem:$0x1320] =	vst v63  }
0xa2: {  	_ =	swait.ge [sflag:s4], $0x1  }
0xa3: {  	[sflag:s4] =	ssyncset.done $0x0  }
0xa4: {  	[sflag:s4] =	ssyncadd.s32 $0xFFFFFFFF;
	(ifvalue) =	ssetifvalue $0xFFFFFFFF;
	v3 =	vld [tilespmem:$0x10];
	_ =	sdelay $0x3  }
.Ltmp8:
0xa5: {  	_ = 	snop;
	(pc) =	sbr.rel .LBB2_4-.Ltmp8, $3  }
0xa6: {  	_ =	sdelay $0x1  }
0xa7: {  	(ifvalue) =	ssetifvalue $0xFFFFFFFF  }
0xa8: {  	[hbm4b:s1+s14] =	stream.indirect_vreg.scatter [tilespmem:s19], [sflag:$0x9], $0x1, v3, vm0, $0x4038;
	[tilespmem:$0x1320] =	vst v63  }
.LBB2_12:
0xa9: {  	s0 =	simm.s32 $0x2  }
0xaa: {  	_ =	swait.ge [sflag:s0], $0x200  }
0xab: {  	[sflag:s0] =	ssyncset.done $0x0  }
0xac: {  	s31 =	simm.s32 $0x9;
	[sflag:s0] =	ssyncadd.s32 $0xFFFFFE00  }
0xad: {  	_ =	swait.ge [sflag:s31], $0x10  }
0xae: {  	[sflag:s31] =	ssyncset.done $0x0  }
0xaf: {  	[sflag:s31] =	ssyncadd.s32 $0xFFFFFFF0  }
.LBB2_13:
0xb0: {  	_ =	sfence.sel $0x180000  }
0xb1: {  	s0 =	simm.s32 $0x7;
	[bflag:$0x0] =	sbarrier.arrive $0xFFFF  }
0xb2: {  	s26 =	simm.s32 $0x8;
	[sflag:s0] =	ssyncpa.u1 $0x1  }
0xb3: {  	s28 =	simm.s32 $0x9;
	[sflag:s26] =	ssyncpa.u1 $0x1  }
0xb4: {  	[sflag:s28] =	ssyncpa.u1 $0x1  }
0xb5: {  	_ =	sfence.stream.spmem  }
0xb6: {  	s29 =	simm.s32 $0x3;
	[bflag:$0x0] =	sbarrier.arrive $0xFFFF  }
0xb7: {  	s30 =	simm.s32 $0x4;
	[sflag:s29] =	ssyncpa.u1 $0x1  }
0xb8: {  	s31 =	simm.s32 $0x3C;
	s2 =	stileid.u32;
	[sflag:s30] =	ssyncpa.u1 $0x1  }
0xb9: {  	p0 =	sne.s32 s2, $0x0;
	[sflag:s31] =	ssyncpa.u1 $0x1  }
0xba: {  	s0 =	simm.s32 @p0 $0x1;
	_ =	sfence @p0  }
0xbb: {  	[sflag:s0] =	ssyncpa.u1 @p0 $0x1;
	s0 =	simm.s32 @p0 $0x2  }
0xbc: {  	[sflag:s0] =	ssyncpa.u1 @p0 $0x1  }
0xbd: {  	_ =	strace @p0 $0x90000047  }
0xbe: {  	[bflag:$0x2] =	sbarrier.arrive @p0 $0xFFFF  }
0xbf: {  	_ =	shalt @p0  }
.LBB2_14:
0xc0: {  	_ =	sfence.stream.spmem;
	s0 =	simm.s32 $0x5  }
0xc1: {  	s2 =	simm.s32 $0x80;
	s3 =	simm.s32 $0xC0;
	[sflag:s0] =	ssyncpa.u1 $0x0  }
0xc2: {  	[tilespmem:s3], [sflag:$0x5] =	stream.linear.gather [spmem:s2], $0x20, $0x38;
	[tilespmem:$0x1320] =	vst v63  }
0xc3: {  	s30 =	simm.s32 $0xE0;
	s2 =	simm.s32 $0x0  }
0xc4: {  	[tilespmem:s30], [sflag:$0x5] =	stream.linear.gather [spmem:s2], $0x20, $0x38;
	[tilespmem:$0x1320] =	vst v63  }
.Ltmp9:
0xc5: {  	_ = 	snop;
	(pc) =	sbr.rel .LBB2_15-.Ltmp9, $4  }
0xc6: {  	_ =	swait.ge [sflag:s0], $0x40  }
0xc7: {  	[sflag:s0] =	ssyncset.done $0x0  }
0xc8: {  	s31 =	simm.s32 $0x6;
	[sflag:s0] =	ssyncadd.s32 $0xFFFFFFC0  }
0xc9: {  	s3 =	simm.s32 $0x0;
	[sflag:s31] =	ssyncpa.u1 $0x0  }
.LBB2_20:
0xca: {  	p0 =	sgt.u32 s4, $0x1FFF  }
0xcb: {  	s0 =	sshrl.u32 @!p0 s4, $0x3  }
0xcc: {  	s4 =	sand.u32 @!p0 $0x7, s4;
	s5 =	simm.s32 @!p0 $0xB0;
	s0 =	sadd.s32 @!p0 s1, s0  }
0xcd: {  	[tilespmem:s5], [sflag:$0x6] =	stream.linear.gather @!p0 [hbm4b:s0+s4], $0x1, $0x38;
	[tilespmem:$0x1320] =	vst v63  }
0xce: {  	s0 =	simm.s32 @!p0 $0x6  }
0xcf: {  	_ =	swait.ge @!p0 [sflag:s0], $0x1  }
0xd0: {  	[sflag:s0] =	ssyncset.done @!p0 $0x0  }
0xd1: {  	[sflag:s0] =	ssyncadd.s32 @!p0 $0xFFFFFFFF  }
0xd2: {  	v1 =	vld.msk @!p0 [tilespmem:$0xB0], $0x1  }
0xd3: {  	v2 =	vld.msk @!p0 [tilespmem:s3+$0xE0], $0x1;
	_ =	sdelay $0x4  }
0xd4: {  	vm0 =	vgt.s32 @!p0 v2, v1  }
0xd5: {  	v1 =	vsel @!p0 vm0, v2, v1  }
0xd6: {  	[tilespmem:s3+$0xE0] =	vst.msk @!p0 $0x1, v1  }
0xd7: {  	[tilespmem:s2+$0xC0] =	vst.msk $0x1, v0  }
0xd8: {  	v0 =	vld.msk [tilespmem:s3+$0xE0], $0x1;
	_ =	sdelay $0x4  }
0xd9: {  	[tilespmem:s2+$0xE0] =	vst.msk $0x1, v0;
	s2 =	sadd.s32 $0x1, s2  }
.LBB2_22:
0xda: {  	s3 =	sadd.s32 $0x1, s3  }
0xdb: {  	p0 =	sne.s32 s3, $0x20  }
.Ltmp10:
0xdc: {  	_ = 	snop;
	(pc) =	sbr.rel @!p0 .LBB2_23-.Ltmp10, $1  }
0xdd: {  	_ =	sdelay $0x3  }
.LBB2_15:
0xde: {  	v0 =	vld.msk [tilespmem:s3+$0xC0], $0x1;
	_ =	sdelay $0x4  }
0xdf: {  	(v2sf) =	vpush v0, $0x0;
	_ =	sdelay $0xe  }
0xe0: {  	s4 =	spop (v2sf)  }
0xe1: {  	p0 =	seq.s32 s4, $0xFFFFFFFF  }
.Ltmp11:
0xe2: {  	_ = 	snop;
	(pc) =	sbr.rel @p0 .LBB2_22-.Ltmp11, $1  }
0xe3: {  	_ =	sdelay $0x3  }
0xe4: {  	p0 =	slt.s32 s2, $0x1  }
.Ltmp12:
0xe5: {  	_ = 	snop;
	(pc) =	sbr.rel @p0 .LBB2_20-.Ltmp12, $1  }
0xe6: {  	_ =	sdelay $0x3  }
0xe7: {  	s0 =	simm.s32 $0xC0;
	p0 =	por $0x0, $0x0  }
0xe8: {  	v1 =	vld.msk @!p0 [tilespmem:s0+$0x0], $0x1;
	_ =	sdelay $0x4  }
0xe9: {  	(v2sf) =	vpush @!p0 v1, $0x0;
	_ =	sdelay $0xd  }
0xea: {  	p2 =	sne.s32 s2, $0x1  }
.Ltmp13:
0xeb: {  	s5 =	spop @!p0 (v2sf);
	(pc) =	sbr.rel @!p2 .LBB2_19-.Ltmp13, $4  }
0xec: {  	p1 =	seq.s32 @!p0 s4, s5  }
0xed: {  	s5 =	simm.s32 $0x0;
	p1 =	por !p1, p0  }
0xee: {  	s7 =	simm.s32 $0xFFFFFFFF;
	s5 =	simm.s32 @p1 $0xFFFFFFFF  }
0xef: {  	s6 =	simm.s32 $0x1;
	s5 =	smov.u32 @p0 s7  }
.LBB2_18:
0xf0: {  	s7 =	smov.u32 s5;
	p0 =	sne.s32 s5, $0xFFFFFFFF  }
0xf1: {  	s0 =	sadd.s32 $0x1, s0;
	s5 =	smov.u32 s6;
	s6 =	sadd.s32 $0x1, s6  }
0xf2: {  	p1 =	sne.s32 s2, s6;
	v1 =	vld.msk @!p0 [tilespmem:s0+$0x0], $0x1;
	_ =	sdelay $0x4  }
0xf3: {  	(v2sf) =	vpush @!p0 v1, $0x0;
	_ =	sdelay $0xe  }
.Ltmp14:
0xf4: {  	s8 =	spop @!p0 (v2sf);
	(pc) =	sbr.rel @p1 .LBB2_18-.Ltmp14, $4  }
0xf5: {  	p2 =	seq.s32 @!p0 s4, s8  }
0xf6: {  	p2 =	por !p2, p0  }
0xf7: {  	s5 =	simm.s32 @p2 $0xFFFFFFFF  }
0xf8: {  	s5 =	smov.u32 @p0 s7  }
.LBB2_19:
0xf9: {  	p0 =	sne.s32 s5, $0xFFFFFFFF  }
.Ltmp15:
0xfa: {  	_ = 	snop;
	(pc) =	sbr.rel @!p0 .LBB2_20-.Ltmp15, $1  }
0xfb: {  	_ =	sdelay $0x3  }
0xfc: {  	v0 =	vld.msk [tilespmem:s3+$0xE0], $0x1  }
0xfd: {  	v1 =	vld.msk [tilespmem:s5+$0xE0], $0x1;
	_ =	sdelay $0x2  }
.Ltmp16:
0xfe: {  	_ = 	snop;
	(pc) =	sbr.rel .LBB2_22-.Ltmp16, $4  }
0xff: {  	_ = 	snop  }
0x100: {  	vm0 =	vgt.s32 v1, v0  }
0x101: {  	v0 =	vsel vm0, v1, v0  }
0x102: {  	[tilespmem:s5+$0xE0] =	vst.msk $0x1, v0  }
.LBB2_23:
0x103: {  	p0 =	slt.s32 s2, $0x1  }
.Ltmp17:
0x104: {  	_ = 	snop;
	(pc) =	sbr.rel @p0 .LBB2_27-.Ltmp17, $3  }
0x105: {  	_ =	sdelay $0x1  }
0x106: {  	s0 =	simm.s32 $0x6  }
0x107: {  	[sflag:s0] =	ssyncpa.u1 $0x1;
	s0 =	simm.s32 $0x0  }
0x108: {  	s3 =	simm.s32 $0xC0  }
0x109: {  	v0 =	vld.msk [tilespmem:s3+$0x0], $0x1;
	_ =	sdelay $0x4  }
0x10a: {  	(v2sf) =	vpush v0, $0x0;
	_ =	sdelay $0xe  }
0x10b: {  	s2 =	sadd.s32 $0xFFFFFFFF, s2;
	s4 =	spop (v2sf)  }
0x10c: {  	p1 =	sne.s32 s2, $0x0;
	p0 =	sgt.u32 s4, $0x1FFF  }
.Ltmp18:
0x10d: {  	s5 =	sshrl.u32 @!p0 s4, $0x3;
	(pc) =	sbr.rel @!p1 .LBB2_26-.Ltmp18, $4  }
0x10e: {  	s3 =	simm.s32 $0xE0;
	s4 =	sand.u32 @!p0 $0x7, s4;
	s5 =	sadd.s32 @!p0 s1, s5  }
0x10f: {  	[hbm4b:s5+s4] =	stream.linear.scatter @!p0 [tilespmem:s3], [sflag:$0x5], $0x1, $0x38;
	[tilespmem:$0x1320] =	vst v63  }
0x110: {  	s5 =	simm.s32 $0x0  }
0x111: {  	s4 =	simm.s32 $0xC1;
	s5 =	simm.s32 @!p0 $0x4  }
.LBB2_25:
0x112: {  	v0 =	vld.msk [tilespmem:s4+$0x0], $0x1;
	s2 =	sadd.s32 $0xFFFFFFFF, s2;
	s0 =	sadd.s32 s0, s5  }
0x113: {  	p0 =	sne.s32 s2, $0x0;
	_ =	sdelay $0x3  }
0x114: {  	(v2sf) =	vpush v0, $0x0;
	_ =	sdelay $0xe  }
.Ltmp19:
0x115: {  	s6 =	spop (v2sf);
	(pc) =	sbr.rel @p0 .LBB2_25-.Ltmp19, $4  }
0x116: {  	s5 =	simm.s32 $0x0;
	p1 =	sgt.u32 s6, $0x1FFF  }
0x117: {  	s3 =	sadd.s32 $0x1, s3;
	s5 =	simm.s32 @!p1 $0x4;
	s7 =	sshrl.u32 @!p1 s6, $0x3  }
0x118: {  	s4 =	sadd.s32 $0x1, s4;
	s6 =	sand.u32 @!p1 $0x7, s6;
	s7 =	sadd.s32 @!p1 s1, s7  }
0x119: {  	[hbm4b:s7+s6] =	stream.linear.scatter @!p1 [tilespmem:s3], [sflag:$0x5], $0x1, $0x38;
	[tilespmem:$0x1320] =	vst v63  }
.LBB2_26:
0x11a: {  	s0 =	sadd.s32 s0, s5  }
0x11b: {  	s0 =	sshrl.u32 s0, $0x2  }
.LBB2_27:
0x11c: {  	s1 =	simm.s32 $0x5  }
0x11d: {  	_ =	swait.ge [sflag:s1], s0  }
0x11e: {  	s28 =	ssub.s32 $0x0, s0;
	[sflag:s1] =	ssyncset.done $0x0  }
0x11f: {  	[sflag:s1] =	ssyncadd.s32 s28  }
0x120: {  	[sflag:s1] =	ssyncpa.u1 $0x1  }
0x121: {  	s29 =	simm.s32 $0x1;
	_ =	sfence  }
0x122: {  	s30 =	simm.s32 $0x2;
	[sflag:s29] =	ssyncpa.u1 $0x1  }
0x123: {  	[sflag:s30] =	ssyncpa.u1 $0x1  }
0x124: {  	_ =	strace $0x90000047  }
0x125: {  	[bflag:$0x2] =	sbarrier.arrive $0xFFFF  }
0x126: {  	s31 =	rddreg [dreg:$0x3]  }
0x127: {  	s0 =	sadd.s32 $0x100000, s31  }
0x128: {  	[sflag:s0] =	ssyncadd.tile.s32 $0x1;
	_ =	shalt  }
.Lfunc_end2:
_tile_overlayer_lowered:
.L_overlay_start_2:
0x129: {  	(tag) =	ssettag $0x2  }
0x12a: {  	s0 =	rddreg [dreg:$0x0];
	s2 =	stileid.u32  }
0x12b: {  	s1 =	rddreg [dreg:$0x1];
	p0 =	sne.s32 s2, $0x0  }
0x12c: {  	s3 =	rddreg [dreg:$0x2];
	[bflag:$0x3] =	sbarrier.arrive $0xFFFF;
	s2 =	simm.s32 @!p0 $0x1C01  }
0x12d: {  	[timem:s3], [sflag:s2] =	dma.local @!p0 [hbm:s0], s1  }
0x12e: {  	s0 =	simm.s32 @!p0 $0x1  }
0x12f: {  	_ =	swait.ge @!p0 [sflag:s0], s1  }
0x130: {  	s1 =	ssub.s32 @!p0 $0x0, s1;
	[sflag:s0] =	ssyncset.done @!p0 $0x0  }
0x131: {  	[sflag:s0] =	ssyncadd.s32 @!p0 s1  }
0x132: {  	[bflag:$0x3] =	sbarrier.arrive $0xFFFF  }
0x133: {  	_ =	shalt  }

</sc_bundles>
